<compile_context>
chip_gen: v7x
topology: tpu7x:2x2x1
jax: 0.10.2.dev20260603
libtpu: 0.0.44.dev20260713+nightly
codegen_flags: <defaults>
</compile_context>

<pallas_src>
import functools

import jax
import jax.numpy as jnp
from jax import lax
from jax.experimental import pallas as pl
from jax.experimental.pallas import tpu as pltpu
from jax.experimental.pallas import tpu_sc as plsc

_DIM = 64
_SCALE = 10.0

_info = plsc.get_sparse_core_info()
_NC, _NS = _info.num_cores, _info.num_subcores
_NW = _NC * _NS

_OC = 4
_G1 = 104


@functools.lru_cache(maxsize=None)
def _make_gather(n_rows, seq):
    flat_per_chunk = _OC * seq
    assert n_rows % _NW == 0
    rows_per_w = n_rows // _NW
    assert rows_per_w % _OC == 0
    n_it = rows_per_w // _OC
    assert n_it % 2 == 0
    b_per_w = rows_per_w * seq
    g2 = flat_per_chunk - _G1
    mesh = plsc.VectorSubcoreMesh(core_axis_name="c", subcore_axis_name="s")

    @functools.partial(
        pl.kernel,
        mesh=mesh,
        out_type=jax.ShapeDtypeStruct((n_rows, seq, _DIM), jnp.float32),
        compiler_params=pltpu.CompilerParams(use_tc_tiling_on_sc=True),
        scratch_types=[
            pltpu.VMEM((b_per_w,), jnp.int32),
            pltpu.VMEM((2, flat_per_chunk, 2 * _DIM), jnp.float32),
            pltpu.VMEM((2, _OC, seq, _DIM), jnp.float32),
            pltpu.SemaphoreType.DMA,
            pltpu.SemaphoreType.DMA,
            pltpu.SemaphoreType.DMA,
            pltpu.SemaphoreType.DMA,
        ],
    )
    def k(table_hbm, idx_hbm, out_hbm, idx_v, rows, boxes, gsem0, gsem1,
          osem0, osem1):
        gsems = (gsem0, gsem1)
        osems = (osem0, osem1)
        wid = lax.axis_index("s") * _NC + lax.axis_index("c")
        base = wid * b_per_w
        row0 = wid * rows_per_w
        pltpu.sync_copy(idx_hbm.at[pl.ds(base, b_per_w)], idx_v)

        def fire_gathers(j, b):
            off = j * flat_per_chunk
            pltpu.async_copy(
                table_hbm.at[idx_v.at[pl.ds(off, _G1)]],
                rows.at[b, pl.ds(0, _G1)],
                gsems[b],
            )
            pltpu.async_copy(
                table_hbm.at[idx_v.at[pl.ds(off + _G1, g2)]],
                rows.at[b, pl.ds(_G1, g2)],
                gsems[b],
            )

        def wait_gathers(b):
            pltpu.make_async_copy(
                table_hbm.at[idx_v.at[pl.ds(0, _G1)]],
                rows.at[b, pl.ds(0, _G1)],
                gsems[b],
            ).wait()
            pltpu.make_async_copy(
                table_hbm.at[idx_v.at[pl.ds(0, g2)]],
                rows.at[b, pl.ds(_G1, g2)],
                gsems[b],
            ).wait()

        fire_gathers(0, 0)

        def grp(g, carry):
            for b in range(2):
                j = g * 2 + b
                nb = 1 - b
                wait_gathers(b)

                @pl.when(j + 1 < n_it)
                def _():
                    fire_gathers(j + 1, nb)

                @pl.when(j >= 2)
                def _():
                    pltpu.make_async_copy(
                        boxes.at[b], out_hbm.at[pl.ds(0, _OC)], osems[b]
                    ).wait()

                for o in range(_OC):
                    @plsc.parallel_loop(0, seq * _DIM // 16, step=1, unroll=8)
                    def _(p):
                        r = p // (_DIM // 16)
                        c = (p % (_DIM // 16)) * 16
                        boxes[b, o, r, pl.ds(c, 16)] = (
                            rows[b, o * seq + r, pl.ds(c, 16)] * _SCALE
                        )

                pltpu.async_copy(
                    boxes.at[b],
                    out_hbm.at[pl.ds(row0 + j * _OC, _OC)],
                    osems[b],
                )

            return carry

        lax.fori_loop(0, n_it // 2, grp, 0)
        for b in range(2):
            pltpu.make_async_copy(
                boxes.at[b], out_hbm.at[pl.ds(0, _OC)], osems[b]
            ).wait()

    return k


def kernel(inputs, table):
    n_rows, seq = inputs.shape
    table_p = jnp.pad(table, ((0, 0), (0, 2 * _DIM - table.shape[1])))
    idx = inputs.reshape(inputs.size)
    out = _make_gather(n_rows, seq)(table_p, idx)
    return jax.lax.optimization_barrier(out)

# --- scband reference (transcript-rebuilt; emitter-appended) ---
"""Pipeline reference for scband-scaled-embedding-77515569758569 (READ-ONLY COPY).

The authoritative reference and input builder live on the scoring server;
editing this copy changes nothing except your own understanding.
"""

import jax, jax.numpy as jnp
import numpy as np

NUM_EMBEDDINGS = 100000
EMBEDDING_DIM = 64
SCALE = 10.0


def setup_inputs(seed: int = 0) -> dict:
    key = jax.random.key(seed)
    k_idx, k_tab = jax.random.split(key)
    inputs = jax.random.randint(k_idx, (4096, 50), 0, NUM_EMBEDDINGS, dtype=jnp.int32)
    # Embedding table initialized like keras uniform init, then divided by scale at build time
    table = jax.random.uniform(k_tab, (NUM_EMBEDDINGS, EMBEDDING_DIM), dtype=jnp.float32, minval=-0.05, maxval=0.05) / SCALE
    return {"inputs": inputs, "table": table}


def reference(inputs, table):
    # ScaledEmbedding forward: gather rows then multiply back by scale
    emb = jnp.take(table, inputs, axis=0)
    return emb * SCALE

if __name__ == "__main__":
    import jax
    _d = setup_inputs()
    print(jax.jit(kernel)(*tuple(_d.values())))

</pallas_src>

<mosaic_0001>
#map = affine_map<(d0, d1) -> (0, 0)>
#map1 = affine_map<(d0, d1) -> (0)>
#map2 = affine_map<(d0, d1) -> (0, 0, 0)>
module attributes {stable_mosaic.version = 14 : i64} {
  func.func @k(%arg0: i32, %arg1: i32, %arg2: memref<100000x128xf32, #tpu.memory_space<hbm>>, %arg3: memref<204800xi32, #tpu.memory_space<hbm>>, %arg4: memref<4096x50x64xf32, #tpu.memory_space<hbm>>, %arg5: memref<6400xi32, #tpu.memory_space<vmem>>, %arg6: memref<2x200x128xf32, #tpu.memory_space<vmem>>, %arg7: memref<2x4x50x64xf32, #tpu.memory_space<vmem>>, %arg8: memref<!tpu.dma_semaphore, #tpu.memory_space<semaphore_mem>>, %arg9: memref<!tpu.dma_semaphore, #tpu.memory_space<semaphore_mem>>, %arg10: memref<!tpu.dma_semaphore, #tpu.memory_space<semaphore_mem>>, %arg11: memref<!tpu.dma_semaphore, #tpu.memory_space<semaphore_mem>>) attributes {dimension_semantics = [#tpu.dimension_semantics<core_parallel>, #tpu.dimension_semantics<subcore_parallel>], iteration_bounds = array<i64: 2, 16>, scalar_prefetch = 0 : i64, scratch_operands = 7 : i64, tpu.core_type = #tpu.core_type<sc_vector_subcore>, window_params = [{transform_indices = #map}, {transform_indices = #map1}, {transform_indices = #map2}]} {
    %mul3A = arith.constant 2 : i32
    %mul3A_0 = arith.muli %arg1, %mul3A : i32
    %add3A = arith.addi %mul3A_0, %arg0 : i32
    %mul3A_1 = arith.constant 6400 : i32
    %mul3A_2 = arith.muli %add3A, %mul3A_1 : i32
    %mul3A_3 = arith.constant 128 : i32
    %mul3A_4 = arith.muli %add3A, %mul3A_3 : i32
    "tpu.region"() ({
      %run_scoped3A = tpu.sem_alloc : memref<!tpu.dma_semaphore, #tpu.memory_space<semaphore_mem>>
      %dma_start3A_66 = tpu.memref_slice %arg3[%mul3A_2] : memref<204800xi32, #tpu.memory_space<hbm>> -> memref<6400xi32, #tpu.memory_space<hbm>>
      %dma_start3A_67 = tpu.memref_slice %arg3[%mul3A_2] : memref<204800xi32, #tpu.memory_space<hbm>> -> memref<6400xi32, #tpu.memory_space<hbm>>
      tpu.enqueue_dma source(%dma_start3A_67 : memref<6400xi32, #tpu.memory_space<hbm>>) target(%arg5 : memref<6400xi32, #tpu.memory_space<vmem>>) target_semaphore(%run_scoped3A : memref<!tpu.dma_semaphore, #tpu.memory_space<semaphore_mem>>)
      %dma_wait3A_68 = tpu.memref_slice %arg3[%mul3A_2] : memref<204800xi32, #tpu.memory_space<hbm>> -> memref<6400xi32, #tpu.memory_space<hbm>>
      %dma_wait3A_69 = tpu.memref_slice %arg3[%mul3A_2] : memref<204800xi32, #tpu.memory_space<hbm>> -> memref<6400xi32, #tpu.memory_space<hbm>>
      tpu.wait_dma2 semaphore(%run_scoped3A : memref<!tpu.dma_semaphore, #tpu.memory_space<semaphore_mem>>) src(%dma_wait3A_69 : memref<6400xi32, #tpu.memory_space<hbm>>) dst(%arg5 : memref<6400xi32, #tpu.memory_space<vmem>>)
      tpu.yield
    }) : () -> ()
    %dma_start3A = arith.constant 0 : i32
    %dma_start3A_5 = arith.constant 0 : i32
    %dma_start3A_6 = arith.constant 0 : i32
    %dma_start3A_7 = tpu.memref_slice %arg6[%dma_start3A, %dma_start3A_5, %dma_start3A_6] : memref<2x200x128xf32, #tpu.memory_space<vmem>> -> memref<1x104x128xf32, #tpu.memory_space<vmem>>
    %dma_start3A_8 = tpu.memref_squeeze %dma_start3A_7 : memref<1x104x128xf32, #tpu.memory_space<vmem>> -> memref<104x128xf32, #tpu.memory_space<vmem>>
    %dma_start3A_9 = arith.constant 0 : i32
    %dma_start3A_10 = tpu.memref_slice %arg5[%dma_start3A_9] : memref<6400xi32, #tpu.memory_space<vmem>> -> memref<104xi32, #tpu.memory_space<vmem>>
    %dma_start3A_11 = arith.constant 0 : i32
    %dma_start3A_12 = arith.constant 0 : i32
    %dma_start3A_13 = tpu.memref_slice %arg2[%dma_start3A_11, %dma_start3A_12] : memref<100000x128xf32, #tpu.memory_space<hbm>> -> memref<100000x128xf32, #tpu.memory_space<hbm>>
    tpu.enqueue_indirect_dma source(%dma_start3A_13 : memref<100000x128xf32, #tpu.memory_space<hbm>>) target(%dma_start3A_8 : memref<104x128xf32, #tpu.memory_space<vmem>>) offsets(%dma_start3A_10 : memref<104xi32, #tpu.memory_space<vmem>>) semaphore(%arg8 : memref<!tpu.dma_semaphore, #tpu.memory_space<semaphore_mem>>)
    %dma_start3A_14 = arith.constant 0 : i32
    %dma_start3A_15 = arith.constant 104 : i32
    %dma_start3A_16 = arith.constant 0 : i32
    %dma_start3A_17 = tpu.memref_slice %arg6[%dma_start3A_14, %dma_start3A_15, %dma_start3A_16] : memref<2x200x128xf32, #tpu.memory_space<vmem>> -> memref<1x96x128xf32, #tpu.memory_space<vmem>>
    %dma_start3A_18 = tpu.memref_squeeze %dma_start3A_17 : memref<1x96x128xf32, #tpu.memory_space<vmem>> -> memref<96x128xf32, #tpu.memory_space<vmem>>
    %dma_start3A_19 = arith.constant 104 : i32
    %dma_start3A_20 = tpu.memref_slice %arg5[%dma_start3A_19] : memref<6400xi32, #tpu.memory_space<vmem>> -> memref<96xi32, #tpu.memory_space<vmem>>
    %dma_start3A_21 = arith.constant 0 : i32
    %dma_start3A_22 = arith.constant 0 : i32
    %dma_start3A_23 = tpu.memref_slice %arg2[%dma_start3A_21, %dma_start3A_22] : memref<100000x128xf32, #tpu.memory_space<hbm>> -> memref<100000x128xf32, #tpu.memory_space<hbm>>
    tpu.enqueue_indirect_dma source(%dma_start3A_23 : memref<100000x128xf32, #tpu.memory_space<hbm>>) target(%dma_start3A_18 : memref<96x128xf32, #tpu.memory_space<vmem>>) offsets(%dma_start3A_20 : memref<96xi32, #tpu.memory_space<vmem>>) semaphore(%arg8 : memref<!tpu.dma_semaphore, #tpu.memory_space<semaphore_mem>>)
    %scan3A = arith.constant 0 : i32
    %scan3A_24 = arith.constant 0 : i32
    %scan3A_25 = arith.constant 16 : i32
    %scan3A_26 = arith.addi %scan3A_24, %scan3A_25 : i32
    %scan3A_27 = arith.constant 1 : i32
    scf.for %scan3A_66 = %scan3A_24 to %scan3A_26 step %scan3A_27  : i32 {
      %mul3A_67 = arith.constant 2 : i32
      %mul3A_68 = arith.muli %scan3A_66, %mul3A_67 : i32
      %add3A_69 = arith.constant 0 : i32
      %add3A_70 = arith.addi %mul3A_68, %add3A_69 : i32
      %dma_wait3A_71 = arith.constant 0 : i32
      %dma_wait3A_72 = arith.constant 0 : i32
      %dma_wait3A_73 = arith.constant 0 : i32
      %dma_wait3A_74 = tpu.memref_slice %arg6[%dma_wait3A_71, %dma_wait3A_72, %dma_wait3A_73] : memref<2x200x128xf32, #tpu.memory_space<vmem>> -> memref<1x104x128xf32, #tpu.memory_space<vmem>>
      %dma_wait3A_75 = tpu.memref_squeeze %dma_wait3A_74 : memref<1x104x128xf32, #tpu.memory_space<vmem>> -> memref<104x128xf32, #tpu.memory_space<vmem>>
      %dma_wait3A_76 = arith.constant 0 : i32
      %dma_wait3A_77 = tpu.memref_slice %arg5[%dma_wait3A_76] : memref<6400xi32, #tpu.memory_space<vmem>> -> memref<104xi32, #tpu.memory_space<vmem>>
      %dma_wait3A_78 = arith.constant 0 : i32
      %dma_wait3A_79 = arith.constant 0 : i32
      %dma_wait3A_80 = tpu.memref_slice %arg2[%dma_wait3A_78, %dma_wait3A_79] : memref<100000x128xf32, #tpu.memory_space<hbm>> -> memref<100000x128xf32, #tpu.memory_space<hbm>>
      tpu.wait_indirect_dma semaphore(%arg8 : memref<!tpu.dma_semaphore, #tpu.memory_space<semaphore_mem>>) src(%dma_wait3A_80 : memref<100000x128xf32, #tpu.memory_space<hbm>>) dst(%dma_wait3A_75 : memref<104x128xf32, #tpu.memory_space<vmem>>)
      %dma_wait3A_81 = arith.constant 0 : i32
      %dma_wait3A_82 = arith.constant 104 : i32
      %dma_wait3A_83 = arith.constant 0 : i32
      %dma_wait3A_84 = tpu.memref_slice %arg6[%dma_wait3A_81, %dma_wait3A_82, %dma_wait3A_83] : memref<2x200x128xf32, #tpu.memory_space<vmem>> -> memref<1x96x128xf32, #tpu.memory_space<vmem>>
      %dma_wait3A_85 = tpu.memref_squeeze %dma_wait3A_84 : memref<1x96x128xf32, #tpu.memory_space<vmem>> -> memref<96x128xf32, #tpu.memory_space<vmem>>
      %dma_wait3A_86 = arith.constant 0 : i32
      %dma_wait3A_87 = tpu.memref_slice %arg5[%dma_wait3A_86] : memref<6400xi32, #tpu.memory_space<vmem>> -> memref<96xi32, #tpu.memory_space<vmem>>
      %dma_wait3A_88 = arith.constant 0 : i32
      %dma_wait3A_89 = arith.constant 0 : i32
      %dma_wait3A_90 = tpu.memref_slice %arg2[%dma_wait3A_88, %dma_wait3A_89] : memref<100000x128xf32, #tpu.memory_space<hbm>> -> memref<100000x128xf32, #tpu.memory_space<hbm>>
      tpu.wait_indirect_dma semaphore(%arg8 : memref<!tpu.dma_semaphore, #tpu.memory_space<semaphore_mem>>) src(%dma_wait3A_90 : memref<100000x128xf32, #tpu.memory_space<hbm>>) dst(%dma_wait3A_85 : memref<96x128xf32, #tpu.memory_space<vmem>>)
      %add3A_91 = arith.constant 1 : i32
      %add3A_92 = arith.addi %add3A_70, %add3A_91 : i32
      %lt3A = arith.constant 32 : i32
      %lt3A_93 = arith.cmpi slt, %add3A_92, %lt3A : i32
      %convert_element_type3A = arith.extui %lt3A_93 : i1 to i32
      %cond3A = arith.constant 0 : i32
      %cond3A_94 = arith.cmpi ne, %convert_element_type3A, %cond3A : i32
      scf.if %cond3A_94 {
        %add3A_198 = arith.constant 1 : i32
        %add3A_199 = arith.addi %add3A_70, %add3A_198 : i32
        %mul3A_200 = arith.constant 200 : i32
        %mul3A_201 = arith.muli %add3A_199, %mul3A_200 : i32
        %dma_start3A_202 = arith.constant 1 : i32
        %dma_start3A_203 = arith.constant 0 : i32
        %dma_start3A_204 = arith.constant 0 : i32
        %dma_start3A_205 = tpu.memref_slice %arg6[%dma_start3A_202, %dma_start3A_203, %dma_start3A_204] : memref<2x200x128xf32, #tpu.memory_space<vmem>> -> memref<1x104x128xf32, #tpu.memory_space<vmem>>
        %dma_start3A_206 = tpu.memref_squeeze %dma_start3A_205 : memref<1x104x128xf32, #tpu.memory_space<vmem>> -> memref<104x128xf32, #tpu.memory_space<vmem>>
        %dma_start3A_207 = tpu.memref_slice %arg5[%mul3A_201] : memref<6400xi32, #tpu.memory_space<vmem>> -> memref<104xi32, #tpu.memory_space<vmem>>
        %dma_start3A_208 = arith.constant 0 : i32
        %dma_start3A_209 = arith.constant 0 : i32
        %dma_start3A_210 = tpu.memref_slice %arg2[%dma_start3A_208, %dma_start3A_209] : memref<100000x128xf32, #tpu.memory_space<hbm>> -> memref<100000x128xf32, #tpu.memory_space<hbm>>
        tpu.enqueue_indirect_dma source(%dma_start3A_210 : memref<100000x128xf32, #tpu.memory_space<hbm>>) target(%dma_start3A_206 : memref<104x128xf32, #tpu.memory_space<vmem>>) offsets(%dma_start3A_207 : memref<104xi32, #tpu.memory_space<vmem>>) semaphore(%arg9 : memref<!tpu.dma_semaphore, #tpu.memory_space<semaphore_mem>>)
        %add3A_211 = arith.constant 104 : i32
        %add3A_212 = arith.addi %mul3A_201, %add3A_211 : i32
        %dma_start3A_213 = arith.constant 1 : i32
        %dma_start3A_214 = arith.constant 104 : i32
        %dma_start3A_215 = arith.constant 0 : i32
        %dma_start3A_216 = tpu.memref_slice %arg6[%dma_start3A_213, %dma_start3A_214, %dma_start3A_215] : memref<2x200x128xf32, #tpu.memory_space<vmem>> -> memref<1x96x128xf32, #tpu.memory_space<vmem>>
        %dma_start3A_217 = tpu.memref_squeeze %dma_start3A_216 : memref<1x96x128xf32, #tpu.memory_space<vmem>> -> memref<96x128xf32, #tpu.memory_space<vmem>>
        %dma_start3A_218 = tpu.memref_slice %arg5[%add3A_212] : memref<6400xi32, #tpu.memory_space<vmem>> -> memref<96xi32, #tpu.memory_space<vmem>>
        %dma_start3A_219 = arith.constant 0 : i32
        %dma_start3A_220 = arith.constant 0 : i32
        %dma_start3A_221 = tpu.memref_slice %arg2[%dma_start3A_219, %dma_start3A_220] : memref<100000x128xf32, #tpu.memory_space<hbm>> -> memref<100000x128xf32, #tpu.memory_space<hbm>>
        tpu.enqueue_indirect_dma source(%dma_start3A_221 : memref<100000x128xf32, #tpu.memory_space<hbm>>) target(%dma_start3A_217 : memref<96x128xf32, #tpu.memory_space<vmem>>) offsets(%dma_start3A_218 : memref<96xi32, #tpu.memory_space<vmem>>) semaphore(%arg9 : memref<!tpu.dma_semaphore, #tpu.memory_space<semaphore_mem>>)
      } else {
      }
      %ge3A = arith.constant 2 : i32
      %ge3A_95 = arith.cmpi sge, %add3A_70, %ge3A : i32
      %convert_element_type3A_96 = arith.extui %ge3A_95 : i1 to i32
      %cond3A_97 = arith.constant 0 : i32
      %cond3A_98 = arith.cmpi ne, %convert_element_type3A_96, %cond3A_97 : i32
      scf.if %cond3A_98 {
        %dma_wait3A_198 = arith.constant 0 : i32
        %dma_wait3A_199 = arith.constant 0 : i32
        %dma_wait3A_200 = arith.constant 0 : i32
        %dma_wait3A_201 = arith.constant 0 : i32
        %dma_wait3A_202 = tpu.memref_slice %arg7[%dma_wait3A_198, %dma_wait3A_199, %dma_wait3A_200, %dma_wait3A_201] : memref<2x4x50x64xf32, #tpu.memory_space<vmem>> -> memref<1x4x50x64xf32, #tpu.memory_space<vmem>>
        %dma_wait3A_203 = tpu.memref_squeeze %dma_wait3A_202 : memref<1x4x50x64xf32, #tpu.memory_space<vmem>> -> memref<4x50x64xf32, #tpu.memory_space<vmem>>
        %dma_wait3A_204 = arith.constant 0 : i32
        %dma_wait3A_205 = arith.constant 0 : i32
        %dma_wait3A_206 = arith.constant 0 : i32
        %dma_wait3A_207 = tpu.memref_slice %arg4[%dma_wait3A_204, %dma_wait3A_205, %dma_wait3A_206] : memref<4096x50x64xf32, #tpu.memory_space<hbm>> -> memref<4x50x64xf32, #tpu.memory_space<hbm>>
        %dma_wait3A_208 = arith.constant 0 : i32
        %dma_wait3A_209 = arith.constant 0 : i32
        %dma_wait3A_210 = arith.constant 0 : i32
        %dma_wait3A_211 = tpu.memref_slice %arg4[%dma_wait3A_208, %dma_wait3A_209, %dma_wait3A_210] : memref<4096x50x64xf32, #tpu.memory_space<hbm>> -> memref<4x50x64xf32, #tpu.memory_space<hbm>>
        %dma_wait3A_212 = arith.constant 0 : i32
        %dma_wait3A_213 = arith.constant 0 : i32
        %dma_wait3A_214 = arith.constant 0 : i32
        %dma_wait3A_215 = tpu.memref_slice %arg7[%dma_wait3A_198, %dma_wait3A_212, %dma_wait3A_213, %dma_wait3A_214] : memref<2x4x50x64xf32, #tpu.memory_space<vmem>> -> memref<1x4x50x64xf32, #tpu.memory_space<vmem>>
        %dma_wait3A_216 = tpu.memref_squeeze %dma_wait3A_215 : memref<1x4x50x64xf32, #tpu.memory_space<vmem>> -> memref<4x50x64xf32, #tpu.memory_space<vmem>>
        tpu.wait_dma2 semaphore(%arg10 : memref<!tpu.dma_semaphore, #tpu.memory_space<semaphore_mem>>) src(%dma_wait3A_216 : memref<4x50x64xf32, #tpu.memory_space<vmem>>) dst(%dma_wait3A_211 : memref<4x50x64xf32, #tpu.memory_space<hbm>>)
      } else {
      }
      %parallel_loop3A = arith.constant 0 : i32
      %parallel_loop3A_99 = arith.constant 200 : i32
      %parallel_loop3A_100 = arith.constant 1 : i32
      scf.for %parallel_loop3A_198 = %parallel_loop3A to %parallel_loop3A_99 step %parallel_loop3A_100  : i32 {
        %parallel_loop3A_199 = arith.constant 4 : i32
        %parallel_loop3A_200 = arith.divsi %parallel_loop3A_198, %parallel_loop3A_199 : i32
        %parallel_loop3A_201 = arith.constant 0 : i32
        %parallel_loop3A_202 = arith.cmpi sgt, %parallel_loop3A_198, %parallel_loop3A_201 : i32
        %parallel_loop3A_203 = arith.extui %parallel_loop3A_202 : i1 to i32
        %parallel_loop3A_204 = arith.constant 0 : i32
        %parallel_loop3A_205 = arith.cmpi slt, %parallel_loop3A_198, %parallel_loop3A_204 : i32
        %parallel_loop3A_206 = arith.extui %parallel_loop3A_205 : i1 to i32
        %parallel_loop3A_207 = arith.subi %parallel_loop3A_203, %parallel_loop3A_206 : i32
        %parallel_loop3A_208 = arith.constant 0 : i32
        %parallel_loop3A_209 = arith.cmpi sgt, %parallel_loop3A_199, %parallel_loop3A_208 : i32
        %parallel_loop3A_210 = arith.extui %parallel_loop3A_209 : i1 to i32
        %parallel_loop3A_211 = arith.constant 0 : i32
        %parallel_loop3A_212 = arith.cmpi slt, %parallel_loop3A_199, %parallel_loop3A_211 : i32
        %parallel_loop3A_213 = arith.extui %parallel_loop3A_212 : i1 to i32
        %parallel_loop3A_214 = arith.subi %parallel_loop3A_210, %parallel_loop3A_213 : i32
        %parallel_loop3A_215 = arith.cmpi ne, %parallel_loop3A_207, %parallel_loop3A_214 : i32
        %parallel_loop3A_216 = arith.remsi %parallel_loop3A_198, %parallel_loop3A_199 : i32
        %parallel_loop3A_217 = arith.constant 0 : i32
        %parallel_loop3A_218 = arith.cmpi ne, %parallel_loop3A_216, %parallel_loop3A_217 : i32
        %parallel_loop3A_219 = arith.andi %parallel_loop3A_215, %parallel_loop3A_218 : i1
        %parallel_loop3A_220 = arith.constant 1 : i32
        %parallel_loop3A_221 = arith.subi %parallel_loop3A_200, %parallel_loop3A_220 : i32
        %parallel_loop3A_222 = arith.select %parallel_loop3A_219, %parallel_loop3A_221, %parallel_loop3A_200 : i32
        %parallel_loop3A_223 = arith.constant 4 : i32
        %parallel_loop3A_224 = arith.constant 0 : i32
        %parallel_loop3A_225 = arith.cmpi eq, %parallel_loop3A_223, %parallel_loop3A_224 : i32
        %parallel_loop3A_226 = arith.constant 1 : i32
        %parallel_loop3A_227 = arith.select %parallel_loop3A_225, %parallel_loop3A_226, %parallel_loop3A_223 : i32
        %parallel_loop3A_228 = arith.remsi %parallel_loop3A_198, %parallel_loop3A_227 : i32
        %parallel_loop3A_229 = arith.constant 0 : i32
        %parallel_loop3A_230 = arith.cmpi ne, %parallel_loop3A_228, %parallel_loop3A_229 : i32
        %parallel_loop3A_231 = arith.constant 0 : i32
        %parallel_loop3A_232 = arith.cmpi slt, %parallel_loop3A_228, %parallel_loop3A_231 : i32
        %parallel_loop3A_233 = arith.constant 0 : i32
        %parallel_loop3A_234 = arith.cmpi slt, %parallel_loop3A_227, %parallel_loop3A_233 : i32
        %parallel_loop3A_235 = arith.xori %parallel_loop3A_232, %parallel_loop3A_234 : i1
        %parallel_loop3A_236 = arith.andi %parallel_loop3A_235, %parallel_loop3A_230 : i1
        %parallel_loop3A_237 = arith.addi %parallel_loop3A_228, %parallel_loop3A_227 : i32
        %parallel_loop3A_238 = arith.select %parallel_loop3A_236, %parallel_loop3A_237, %parallel_loop3A_228 : i32
        %parallel_loop3A_239 = arith.constant 16 : i32
        %parallel_loop3A_240 = arith.muli %parallel_loop3A_238, %parallel_loop3A_239 : i32
        %parallel_loop3A_241 = arith.constant 0 : i32
        %parallel_loop3A_242 = arith.addi %parallel_loop3A_241, %parallel_loop3A_222 : i32
        %parallel_loop3A_243 = arith.constant 0 : i32
        %parallel_loop3A_244 = arith.index_cast %parallel_loop3A_243 : i32 to index
        %parallel_loop3A_245 = arith.index_cast %parallel_loop3A_242 : i32 to index
        %parallel_loop3A_246 = arith.index_cast %parallel_loop3A_240 : i32 to index
        %parallel_loop3A_247 = tpu.vector_load %arg6[%parallel_loop3A_244, %parallel_loop3A_245, %parallel_loop3A_246] {strides = array<i32>} : memref<2x200x128xf32, #tpu.memory_space<vmem>>, vector<1x1x16xf32>,
        %parallel_loop3A_248 = vector.shape_cast %parallel_loop3A_247 : vector<1x1x16xf32> to vector<16xf32>
        %parallel_loop3A_249 = arith.constant 1.000000e+01 : f32
        %parallel_loop3A_250 = vector.broadcast %parallel_loop3A_249 : f32 to vector<16xf32>
        %parallel_loop3A_251 = arith.mulf %parallel_loop3A_248, %parallel_loop3A_250 : vector<16xf32>
        %parallel_loop3A_252 = arith.constant 0 : i32
        %parallel_loop3A_253 = arith.constant 0 : i32
        %parallel_loop3A_254 = arith.index_cast %parallel_loop3A_252 : i32 to index
        %parallel_loop3A_255 = arith.index_cast %parallel_loop3A_253 : i32 to index
        %parallel_loop3A_256 = arith.index_cast %parallel_loop3A_222 : i32 to index
        %parallel_loop3A_257 = arith.index_cast %parallel_loop3A_240 : i32 to index
        %parallel_loop3A_258 = tpu.vector_load %arg7[%parallel_loop3A_254, %parallel_loop3A_255, %parallel_loop3A_256, %parallel_loop3A_257] {strides = array<i32>} : memref<2x4x50x64xf32, #tpu.memory_space<vmem>>, vector<1x1x1x16xf32>,
        %parallel_loop3A_259 = vector.shape_cast %parallel_loop3A_258 : vector<1x1x1x16xf32> to vector<16xf32>
        %parallel_loop3A_260 = vector.shape_cast %parallel_loop3A_251 : vector<16xf32> to vector<1x1x1x16xf32>
        tpu.vector_store %arg7[%parallel_loop3A_254, %parallel_loop3A_255, %parallel_loop3A_256, %parallel_loop3A_257], %parallel_loop3A_260 {strides = array<i32>} : memref<2x4x50x64xf32, #tpu.memory_space<vmem>>, vector<1x1x1x16xf32>,
      } {sc.loop_unroll_factor = 8 : i64, sc.parallel_access}
      %parallel_loop3A_101 = arith.constant 0 : i32
      %parallel_loop3A_102 = arith.constant 200 : i32
      %parallel_loop3A_103 = arith.constant 1 : i32
      scf.for %parallel_loop3A_198 = %parallel_loop3A_101 to %parallel_loop3A_102 step %parallel_loop3A_103  : i32 {
        %parallel_loop3A_199 = arith.constant 4 : i32
        %parallel_loop3A_200 = arith.divsi %parallel_loop3A_198, %parallel_loop3A_199 : i32
        %parallel_loop3A_201 = arith.constant 0 : i32
        %parallel_loop3A_202 = arith.cmpi sgt, %parallel_loop3A_198, %parallel_loop3A_201 : i32
        %parallel_loop3A_203 = arith.extui %parallel_loop3A_202 : i1 to i32
        %parallel_loop3A_204 = arith.constant 0 : i32
        %parallel_loop3A_205 = arith.cmpi slt, %parallel_loop3A_198, %parallel_loop3A_204 : i32
        %parallel_loop3A_206 = arith.extui %parallel_loop3A_205 : i1 to i32
        %parallel_loop3A_207 = arith.subi %parallel_loop3A_203, %parallel_loop3A_206 : i32
        %parallel_loop3A_208 = arith.constant 0 : i32
        %parallel_loop3A_209 = arith.cmpi sgt, %parallel_loop3A_199, %parallel_loop3A_208 : i32
        %parallel_loop3A_210 = arith.extui %parallel_loop3A_209 : i1 to i32
        %parallel_loop3A_211 = arith.constant 0 : i32
        %parallel_loop3A_212 = arith.cmpi slt, %parallel_loop3A_199, %parallel_loop3A_211 : i32
        %parallel_loop3A_213 = arith.extui %parallel_loop3A_212 : i1 to i32
        %parallel_loop3A_214 = arith.subi %parallel_loop3A_210, %parallel_loop3A_213 : i32
        %parallel_loop3A_215 = arith.cmpi ne, %parallel_loop3A_207, %parallel_loop3A_214 : i32
        %parallel_loop3A_216 = arith.remsi %parallel_loop3A_198, %parallel_loop3A_199 : i32
        %parallel_loop3A_217 = arith.constant 0 : i32
        %parallel_loop3A_218 = arith.cmpi ne, %parallel_loop3A_216, %parallel_loop3A_217 : i32
        %parallel_loop3A_219 = arith.andi %parallel_loop3A_215, %parallel_loop3A_218 : i1
        %parallel_loop3A_220 = arith.constant 1 : i32
        %parallel_loop3A_221 = arith.subi %parallel_loop3A_200, %parallel_loop3A_220 : i32
        %parallel_loop3A_222 = arith.select %parallel_loop3A_219, %parallel_loop3A_221, %parallel_loop3A_200 : i32
        %parallel_loop3A_223 = arith.constant 4 : i32
        %parallel_loop3A_224 = arith.constant 0 : i32
        %parallel_loop3A_225 = arith.cmpi eq, %parallel_loop3A_223, %parallel_loop3A_224 : i32
        %parallel_loop3A_226 = arith.constant 1 : i32
        %parallel_loop3A_227 = arith.select %parallel_loop3A_225, %parallel_loop3A_226, %parallel_loop3A_223 : i32
        %parallel_loop3A_228 = arith.remsi %parallel_loop3A_198, %parallel_loop3A_227 : i32
        %parallel_loop3A_229 = arith.constant 0 : i32
        %parallel_loop3A_230 = arith.cmpi ne, %parallel_loop3A_228, %parallel_loop3A_229 : i32
        %parallel_loop3A_231 = arith.constant 0 : i32
        %parallel_loop3A_232 = arith.cmpi slt, %parallel_loop3A_228, %parallel_loop3A_231 : i32
        %parallel_loop3A_233 = arith.constant 0 : i32
        %parallel_loop3A_234 = arith.cmpi slt, %parallel_loop3A_227, %parallel_loop3A_233 : i32
        %parallel_loop3A_235 = arith.xori %parallel_loop3A_232, %parallel_loop3A_234 : i1
        %parallel_loop3A_236 = arith.andi %parallel_loop3A_235, %parallel_loop3A_230 : i1
        %parallel_loop3A_237 = arith.addi %parallel_loop3A_228, %parallel_loop3A_227 : i32
        %parallel_loop3A_238 = arith.select %parallel_loop3A_236, %parallel_loop3A_237, %parallel_loop3A_228 : i32
        %parallel_loop3A_239 = arith.constant 16 : i32
        %parallel_loop3A_240 = arith.muli %parallel_loop3A_238, %parallel_loop3A_239 : i32
        %parallel_loop3A_241 = arith.constant 50 : i32
        %parallel_loop3A_242 = arith.addi %parallel_loop3A_241, %parallel_loop3A_222 : i32
        %parallel_loop3A_243 = arith.constant 0 : i32
        %parallel_loop3A_244 = arith.index_cast %parallel_loop3A_243 : i32 to index
        %parallel_loop3A_245 = arith.index_cast %parallel_loop3A_242 : i32 to index
        %parallel_loop3A_246 = arith.index_cast %parallel_loop3A_240 : i32 to index
        %parallel_loop3A_247 = tpu.vector_load %arg6[%parallel_loop3A_244, %parallel_loop3A_245, %parallel_loop3A_246] {strides = array<i32>} : memref<2x200x128xf32, #tpu.memory_space<vmem>>, vector<1x1x16xf32>,
        %parallel_loop3A_248 = vector.shape_cast %parallel_loop3A_247 : vector<1x1x16xf32> to vector<16xf32>
        %parallel_loop3A_249 = arith.constant 1.000000e+01 : f32
        %parallel_loop3A_250 = vector.broadcast %parallel_loop3A_249 : f32 to vector<16xf32>
        %parallel_loop3A_251 = arith.mulf %parallel_loop3A_248, %parallel_loop3A_250 : vector<16xf32>
        %parallel_loop3A_252 = arith.constant 0 : i32
        %parallel_loop3A_253 = arith.constant 1 : i32
        %parallel_loop3A_254 = arith.index_cast %parallel_loop3A_252 : i32 to index
        %parallel_loop3A_255 = arith.index_cast %parallel_loop3A_253 : i32 to index
        %parallel_loop3A_256 = arith.index_cast %parallel_loop3A_222 : i32 to index
        %parallel_loop3A_257 = arith.index_cast %parallel_loop3A_240 : i32 to index
        %parallel_loop3A_258 = tpu.vector_load %arg7[%parallel_loop3A_254, %parallel_loop3A_255, %parallel_loop3A_256, %parallel_loop3A_257] {strides = array<i32>} : memref<2x4x50x64xf32, #tpu.memory_space<vmem>>, vector<1x1x1x16xf32>,
        %parallel_loop3A_259 = vector.shape_cast %parallel_loop3A_258 : vector<1x1x1x16xf32> to vector<16xf32>
        %parallel_loop3A_260 = vector.shape_cast %parallel_loop3A_251 : vector<16xf32> to vector<1x1x1x16xf32>
        tpu.vector_store %arg7[%parallel_loop3A_254, %parallel_loop3A_255, %parallel_loop3A_256, %parallel_loop3A_257], %parallel_loop3A_260 {strides = array<i32>} : memref<2x4x50x64xf32, #tpu.memory_space<vmem>>, vector<1x1x1x16xf32>,
      } {sc.loop_unroll_factor = 8 : i64, sc.parallel_access}
      %parallel_loop3A_104 = arith.constant 0 : i32
      %parallel_loop3A_105 = arith.constant 200 : i32
      %parallel_loop3A_106 = arith.constant 1 : i32
      scf.for %parallel_loop3A_198 = %parallel_loop3A_104 to %parallel_loop3A_105 step %parallel_loop3A_106  : i32 {
        %parallel_loop3A_199 = arith.constant 4 : i32
        %parallel_loop3A_200 = arith.divsi %parallel_loop3A_198, %parallel_loop3A_199 : i32
        %parallel_loop3A_201 = arith.constant 0 : i32
        %parallel_loop3A_202 = arith.cmpi sgt, %parallel_loop3A_198, %parallel_loop3A_201 : i32
        %parallel_loop3A_203 = arith.extui %parallel_loop3A_202 : i1 to i32
        %parallel_loop3A_204 = arith.constant 0 : i32
        %parallel_loop3A_205 = arith.cmpi slt, %parallel_loop3A_198, %parallel_loop3A_204 : i32
        %parallel_loop3A_206 = arith.extui %parallel_loop3A_205 : i1 to i32
        %parallel_loop3A_207 = arith.subi %parallel_loop3A_203, %parallel_loop3A_206 : i32
        %parallel_loop3A_208 = arith.constant 0 : i32
        %parallel_loop3A_209 = arith.cmpi sgt, %parallel_loop3A_199, %parallel_loop3A_208 : i32
        %parallel_loop3A_210 = arith.extui %parallel_loop3A_209 : i1 to i32
        %parallel_loop3A_211 = arith.constant 0 : i32
        %parallel_loop3A_212 = arith.cmpi slt, %parallel_loop3A_199, %parallel_loop3A_211 : i32
        %parallel_loop3A_213 = arith.extui %parallel_loop3A_212 : i1 to i32
        %parallel_loop3A_214 = arith.subi %parallel_loop3A_210, %parallel_loop3A_213 : i32
        %parallel_loop3A_215 = arith.cmpi ne, %parallel_loop3A_207, %parallel_loop3A_214 : i32
        %parallel_loop3A_216 = arith.remsi %parallel_loop3A_198, %parallel_loop3A_199 : i32
        %parallel_loop3A_217 = arith.constant 0 : i32
        %parallel_loop3A_218 = arith.cmpi ne, %parallel_loop3A_216, %parallel_loop3A_217 : i32
        %parallel_loop3A_219 = arith.andi %parallel_loop3A_215, %parallel_loop3A_218 : i1
        %parallel_loop3A_220 = arith.constant 1 : i32
        %parallel_loop3A_221 = arith.subi %parallel_loop3A_200, %parallel_loop3A_220 : i32
        %parallel_loop3A_222 = arith.select %parallel_loop3A_219, %parallel_loop3A_221, %parallel_loop3A_200 : i32
        %parallel_loop3A_223 = arith.constant 4 : i32
        %parallel_loop3A_224 = arith.constant 0 : i32
        %parallel_loop3A_225 = arith.cmpi eq, %parallel_loop3A_223, %parallel_loop3A_224 : i32
        %parallel_loop3A_226 = arith.constant 1 : i32
        %parallel_loop3A_227 = arith.select %parallel_loop3A_225, %parallel_loop3A_226, %parallel_loop3A_223 : i32
        %parallel_loop3A_228 = arith.remsi %parallel_loop3A_198, %parallel_loop3A_227 : i32
        %parallel_loop3A_229 = arith.constant 0 : i32
        %parallel_loop3A_230 = arith.cmpi ne, %parallel_loop3A_228, %parallel_loop3A_229 : i32
        %parallel_loop3A_231 = arith.constant 0 : i32
        %parallel_loop3A_232 = arith.cmpi slt, %parallel_loop3A_228, %parallel_loop3A_231 : i32
        %parallel_loop3A_233 = arith.constant 0 : i32
        %parallel_loop3A_234 = arith.cmpi slt, %parallel_loop3A_227, %parallel_loop3A_233 : i32
        %parallel_loop3A_235 = arith.xori %parallel_loop3A_232, %parallel_loop3A_234 : i1
        %parallel_loop3A_236 = arith.andi %parallel_loop3A_235, %parallel_loop3A_230 : i1
        %parallel_loop3A_237 = arith.addi %parallel_loop3A_228, %parallel_loop3A_227 : i32
        %parallel_loop3A_238 = arith.select %parallel_loop3A_236, %parallel_loop3A_237, %parallel_loop3A_228 : i32
        %parallel_loop3A_239 = arith.constant 16 : i32
        %parallel_loop3A_240 = arith.muli %parallel_loop3A_238, %parallel_loop3A_239 : i32
        %parallel_loop3A_241 = arith.constant 100 : i32
        %parallel_loop3A_242 = arith.addi %parallel_loop3A_241, %parallel_loop3A_222 : i32
        %parallel_loop3A_243 = arith.constant 0 : i32
        %parallel_loop3A_244 = arith.index_cast %parallel_loop3A_243 : i32 to index
        %parallel_loop3A_245 = arith.index_cast %parallel_loop3A_242 : i32 to index
        %parallel_loop3A_246 = arith.index_cast %parallel_loop3A_240 : i32 to index
        %parallel_loop3A_247 = tpu.vector_load %arg6[%parallel_loop3A_244, %parallel_loop3A_245, %parallel_loop3A_246] {strides = array<i32>} : memref<2x200x128xf32, #tpu.memory_space<vmem>>, vector<1x1x16xf32>,
        %parallel_loop3A_248 = vector.shape_cast %parallel_loop3A_247 : vector<1x1x16xf32> to vector<16xf32>
        %parallel_loop3A_249 = arith.constant 1.000000e+01 : f32
        %parallel_loop3A_250 = vector.broadcast %parallel_loop3A_249 : f32 to vector<16xf32>
        %parallel_loop3A_251 = arith.mulf %parallel_loop3A_248, %parallel_loop3A_250 : vector<16xf32>
        %parallel_loop3A_252 = arith.constant 0 : i32
        %parallel_loop3A_253 = arith.constant 2 : i32
        %parallel_loop3A_254 = arith.index_cast %parallel_loop3A_252 : i32 to index
        %parallel_loop3A_255 = arith.index_cast %parallel_loop3A_253 : i32 to index
        %parallel_loop3A_256 = arith.index_cast %parallel_loop3A_222 : i32 to index
        %parallel_loop3A_257 = arith.index_cast %parallel_loop3A_240 : i32 to index
        %parallel_loop3A_258 = tpu.vector_load %arg7[%parallel_loop3A_254, %parallel_loop3A_255, %parallel_loop3A_256, %parallel_loop3A_257] {strides = array<i32>} : memref<2x4x50x64xf32, #tpu.memory_space<vmem>>, vector<1x1x1x16xf32>,
        %parallel_loop3A_259 = vector.shape_cast %parallel_loop3A_258 : vector<1x1x1x16xf32> to vector<16xf32>
        %parallel_loop3A_260 = vector.shape_cast %parallel_loop3A_251 : vector<16xf32> to vector<1x1x1x16xf32>
        tpu.vector_store %arg7[%parallel_loop3A_254, %parallel_loop3A_255, %parallel_loop3A_256, %parallel_loop3A_257], %parallel_loop3A_260 {strides = array<i32>} : memref<2x4x50x64xf32, #tpu.memory_space<vmem>>, vector<1x1x1x16xf32>,
      } {sc.loop_unroll_factor = 8 : i64, sc.parallel_access}
      %parallel_loop3A_107 = arith.constant 0 : i32
      %parallel_loop3A_108 = arith.constant 200 : i32
      %parallel_loop3A_109 = arith.constant 1 : i32
      scf.for %parallel_loop3A_198 = %parallel_loop3A_107 to %parallel_loop3A_108 step %parallel_loop3A_109  : i32 {
        %parallel_loop3A_199 = arith.constant 4 : i32
        %parallel_loop3A_200 = arith.divsi %parallel_loop3A_198, %parallel_loop3A_199 : i32
        %parallel_loop3A_201 = arith.constant 0 : i32
        %parallel_loop3A_202 = arith.cmpi sgt, %parallel_loop3A_198, %parallel_loop3A_201 : i32
        %parallel_loop3A_203 = arith.extui %parallel_loop3A_202 : i1 to i32
        %parallel_loop3A_204 = arith.constant 0 : i32
        %parallel_loop3A_205 = arith.cmpi slt, %parallel_loop3A_198, %parallel_loop3A_204 : i32
        %parallel_loop3A_206 = arith.extui %parallel_loop3A_205 : i1 to i32
        %parallel_loop3A_207 = arith.subi %parallel_loop3A_203, %parallel_loop3A_206 : i32
        %parallel_loop3A_208 = arith.constant 0 : i32
        %parallel_loop3A_209 = arith.cmpi sgt, %parallel_loop3A_199, %parallel_loop3A_208 : i32
        %parallel_loop3A_210 = arith.extui %parallel_loop3A_209 : i1 to i32
        %parallel_loop3A_211 = arith.constant 0 : i32
        %parallel_loop3A_212 = arith.cmpi slt, %parallel_loop3A_199, %parallel_loop3A_211 : i32
        %parallel_loop3A_213 = arith.extui %parallel_loop3A_212 : i1 to i32
        %parallel_loop3A_214 = arith.subi %parallel_loop3A_210, %parallel_loop3A_213 : i32
        %parallel_loop3A_215 = arith.cmpi ne, %parallel_loop3A_207, %parallel_loop3A_214 : i32
        %parallel_loop3A_216 = arith.remsi %parallel_loop3A_198, %parallel_loop3A_199 : i32
        %parallel_loop3A_217 = arith.constant 0 : i32
        %parallel_loop3A_218 = arith.cmpi ne, %parallel_loop3A_216, %parallel_loop3A_217 : i32
        %parallel_loop3A_219 = arith.andi %parallel_loop3A_215, %parallel_loop3A_218 : i1
        %parallel_loop3A_220 = arith.constant 1 : i32
        %parallel_loop3A_221 = arith.subi %parallel_loop3A_200, %parallel_loop3A_220 : i32
        %parallel_loop3A_222 = arith.select %parallel_loop3A_219, %parallel_loop3A_221, %parallel_loop3A_200 : i32
        %parallel_loop3A_223 = arith.constant 4 : i32
        %parallel_loop3A_224 = arith.constant 0 : i32
        %parallel_loop3A_225 = arith.cmpi eq, %parallel_loop3A_223, %parallel_loop3A_224 : i32
        %parallel_loop3A_226 = arith.constant 1 : i32
        %parallel_loop3A_227 = arith.select %parallel_loop3A_225, %parallel_loop3A_226, %parallel_loop3A_223 : i32
        %parallel_loop3A_228 = arith.remsi %parallel_loop3A_198, %parallel_loop3A_227 : i32
        %parallel_loop3A_229 = arith.constant 0 : i32
        %parallel_loop3A_230 = arith.cmpi ne, %parallel_loop3A_228, %parallel_loop3A_229 : i32
        %parallel_loop3A_231 = arith.constant 0 : i32
        %parallel_loop3A_232 = arith.cmpi slt, %parallel_loop3A_228, %parallel_loop3A_231 : i32
        %parallel_loop3A_233 = arith.constant 0 : i32
        %parallel_loop3A_234 = arith.cmpi slt, %parallel_loop3A_227, %parallel_loop3A_233 : i32
        %parallel_loop3A_235 = arith.xori %parallel_loop3A_232, %parallel_loop3A_234 : i1
        %parallel_loop3A_236 = arith.andi %parallel_loop3A_235, %parallel_loop3A_230 : i1
        %parallel_loop3A_237 = arith.addi %parallel_loop3A_228, %parallel_loop3A_227 : i32
        %parallel_loop3A_238 = arith.select %parallel_loop3A_236, %parallel_loop3A_237, %parallel_loop3A_228 : i32
        %parallel_loop3A_239 = arith.constant 16 : i32
        %parallel_loop3A_240 = arith.muli %parallel_loop3A_238, %parallel_loop3A_239 : i32
        %parallel_loop3A_241 = arith.constant 150 : i32
        %parallel_loop3A_242 = arith.addi %parallel_loop3A_241, %parallel_loop3A_222 : i32
        %parallel_loop3A_243 = arith.constant 0 : i32
        %parallel_loop3A_244 = arith.index_cast %parallel_loop3A_243 : i32 to index
        %parallel_loop3A_245 = arith.index_cast %parallel_loop3A_242 : i32 to index
        %parallel_loop3A_246 = arith.index_cast %parallel_loop3A_240 : i32 to index
        %parallel_loop3A_247 = tpu.vector_load %arg6[%parallel_loop3A_244, %parallel_loop3A_245, %parallel_loop3A_246] {strides = array<i32>} : memref<2x200x128xf32, #tpu.memory_space<vmem>>, vector<1x1x16xf32>,
        %parallel_loop3A_248 = vector.shape_cast %parallel_loop3A_247 : vector<1x1x16xf32> to vector<16xf32>
        %parallel_loop3A_249 = arith.constant 1.000000e+01 : f32
        %parallel_loop3A_250 = vector.broadcast %parallel_loop3A_249 : f32 to vector<16xf32>
        %parallel_loop3A_251 = arith.mulf %parallel_loop3A_248, %parallel_loop3A_250 : vector<16xf32>
        %parallel_loop3A_252 = arith.constant 0 : i32
        %parallel_loop3A_253 = arith.constant 3 : i32
        %parallel_loop3A_254 = arith.index_cast %parallel_loop3A_252 : i32 to index
        %parallel_loop3A_255 = arith.index_cast %parallel_loop3A_253 : i32 to index
        %parallel_loop3A_256 = arith.index_cast %parallel_loop3A_222 : i32 to index
        %parallel_loop3A_257 = arith.index_cast %parallel_loop3A_240 : i32 to index
        %parallel_loop3A_258 = tpu.vector_load %arg7[%parallel_loop3A_254, %parallel_loop3A_255, %parallel_loop3A_256, %parallel_loop3A_257] {strides = array<i32>} : memref<2x4x50x64xf32, #tpu.memory_space<vmem>>, vector<1x1x1x16xf32>,
        %parallel_loop3A_259 = vector.shape_cast %parallel_loop3A_258 : vector<1x1x1x16xf32> to vector<16xf32>
        %parallel_loop3A_260 = vector.shape_cast %parallel_loop3A_251 : vector<16xf32> to vector<1x1x1x16xf32>
        tpu.vector_store %arg7[%parallel_loop3A_254, %parallel_loop3A_255, %parallel_loop3A_256, %parallel_loop3A_257], %parallel_loop3A_260 {strides = array<i32>} : memref<2x4x50x64xf32, #tpu.memory_space<vmem>>, vector<1x1x1x16xf32>,
      } {sc.loop_unroll_factor = 8 : i64, sc.parallel_access}
      %mul3A_110 = arith.constant 4 : i32
      %mul3A_111 = arith.muli %add3A_70, %mul3A_110 : i32
      %add3A_112 = arith.addi %mul3A_4, %mul3A_111 : i32
      %dma_start3A_113 = arith.constant 0 : i32
      %dma_start3A_114 = arith.constant 0 : i32
      %dma_start3A_115 = arith.constant 0 : i32
      %dma_start3A_116 = arith.constant 0 : i32
      %dma_start3A_117 = tpu.memref_slice %arg7[%dma_start3A_113, %dma_start3A_114, %dma_start3A_115, %dma_start3A_116] : memref<2x4x50x64xf32, #tpu.memory_space<vmem>> -> memref<1x4x50x64xf32, #tpu.memory_space<vmem>>
      %dma_start3A_118 = tpu.memref_squeeze %dma_start3A_117 : memref<1x4x50x64xf32, #tpu.memory_space<vmem>> -> memref<4x50x64xf32, #tpu.memory_space<vmem>>
      %dma_start3A_119 = arith.constant 0 : i32
      %dma_start3A_120 = arith.constant 0 : i32
      %dma_start3A_121 = tpu.memref_slice %arg4[%add3A_112, %dma_start3A_119, %dma_start3A_120] : memref<4096x50x64xf32, #tpu.memory_space<hbm>> -> memref<4x50x64xf32, #tpu.memory_space<hbm>>
      %dma_start3A_122 = arith.constant 0 : i32
      %dma_start3A_123 = arith.constant 0 : i32
      %dma_start3A_124 = tpu.memref_slice %arg4[%add3A_112, %dma_start3A_122, %dma_start3A_123] : memref<4096x50x64xf32, #tpu.memory_space<hbm>> -> memref<4x50x64xf32, #tpu.memory_space<hbm>>
      %dma_start3A_125 = arith.constant 0 : i32
      %dma_start3A_126 = arith.constant 0 : i32
      %dma_start3A_127 = arith.constant 0 : i32
      %dma_start3A_128 = tpu.memref_slice %arg7[%dma_start3A_113, %dma_start3A_125, %dma_start3A_126, %dma_start3A_127] : memref<2x4x50x64xf32, #tpu.memory_space<vmem>> -> memref<1x4x50x64xf32, #tpu.memory_space<vmem>>
      %dma_start3A_129 = tpu.memref_squeeze %dma_start3A_128 : memref<1x4x50x64xf32, #tpu.memory_space<vmem>> -> memref<4x50x64xf32, #tpu.memory_space<vmem>>
      tpu.enqueue_dma source(%dma_start3A_129 : memref<4x50x64xf32, #tpu.memory_space<vmem>>) target(%dma_start3A_124 : memref<4x50x64xf32, #tpu.memory_space<hbm>>) target_semaphore(%arg10 : memref<!tpu.dma_semaphore, #tpu.memory_space<semaphore_mem>>)
      %mul3A_130 = arith.constant 2 : i32
      %mul3A_131 = arith.muli %scan3A_66, %mul3A_130 : i32
      %add3A_132 = arith.constant 1 : i32
      %add3A_133 = arith.addi %mul3A_131, %add3A_132 : i32
      %dma_wait3A_134 = arith.constant 1 : i32
      %dma_wait3A_135 = arith.constant 0 : i32
      %dma_wait3A_136 = arith.constant 0 : i32
      %dma_wait3A_137 = tpu.memref_slice %arg6[%dma_wait3A_134, %dma_wait3A_135, %dma_wait3A_136] : memref<2x200x128xf32, #tpu.memory_space<vmem>> -> memref<1x104x128xf32, #tpu.memory_space<vmem>>
      %dma_wait3A_138 = tpu.memref_squeeze %dma_wait3A_137 : memref<1x104x128xf32, #tpu.memory_space<vmem>> -> memref<104x128xf32, #tpu.memory_space<vmem>>
      %dma_wait3A_139 = arith.constant 0 : i32
      %dma_wait3A_140 = tpu.memref_slice %arg5[%dma_wait3A_139] : memref<6400xi32, #tpu.memory_space<vmem>> -> memref<104xi32, #tpu.memory_space<vmem>>
      %dma_wait3A_141 = arith.constant 0 : i32
      %dma_wait3A_142 = arith.constant 0 : i32
      %dma_wait3A_143 = tpu.memref_slice %arg2[%dma_wait3A_141, %dma_wait3A_142] : memref<100000x128xf32, #tpu.memory_space<hbm>> -> memref<100000x128xf32, #tpu.memory_space<hbm>>
      tpu.wait_indirect_dma semaphore(%arg9 : memref<!tpu.dma_semaphore, #tpu.memory_space<semaphore_mem>>) src(%dma_wait3A_143 : memref<100000x128xf32, #tpu.memory_space<hbm>>) dst(%dma_wait3A_138 : memref<104x128xf32, #tpu.memory_space<vmem>>)
      %dma_wait3A_144 = arith.constant 1 : i32
      %dma_wait3A_145 = arith.constant 104 : i32
      %dma_wait3A_146 = arith.constant 0 : i32
      %dma_wait3A_147 = tpu.memref_slice %arg6[%dma_wait3A_144, %dma_wait3A_145, %dma_wait3A_146] : memref<2x200x128xf32, #tpu.memory_space<vmem>> -> memref<1x96x128xf32, #tpu.memory_space<vmem>>
      %dma_wait3A_148 = tpu.memref_squeeze %dma_wait3A_147 : memref<1x96x128xf32, #tpu.memory_space<vmem>> -> memref<96x128xf32, #tpu.memory_space<vmem>>
      %dma_wait3A_149 = arith.constant 0 : i32
      %dma_wait3A_150 = tpu.memref_slice %arg5[%dma_wait3A_149] : memref<6400xi32, #tpu.memory_space<vmem>> -> memref<96xi32, #tpu.memory_space<vmem>>
      %dma_wait3A_151 = arith.constant 0 : i32
      %dma_wait3A_152 = arith.constant 0 : i32
      %dma_wait3A_153 = tpu.memref_slice %arg2[%dma_wait3A_151, %dma_wait3A_152] : memref<100000x128xf32, #tpu.memory_space<hbm>> -> memref<100000x128xf32, #tpu.memory_space<hbm>>
      tpu.wait_indirect_dma semaphore(%arg9 : memref<!tpu.dma_semaphore, #tpu.memory_space<semaphore_mem>>) src(%dma_wait3A_153 : memref<100000x128xf32, #tpu.memory_space<hbm>>) dst(%dma_wait3A_148 : memref<96x128xf32, #tpu.memory_space<vmem>>)
      %add3A_154 = arith.constant 1 : i32
      %add3A_155 = arith.addi %add3A_133, %add3A_154 : i32
      %lt3A_156 = arith.constant 32 : i32
      %lt3A_157 = arith.cmpi slt, %add3A_155, %lt3A_156 : i32
      %convert_element_type3A_158 = arith.extui %lt3A_157 : i1 to i32
      %cond3A_159 = arith.constant 0 : i32
      %cond3A_160 = arith.cmpi ne, %convert_element_type3A_158, %cond3A_159 : i32
      scf.if %cond3A_160 {
        %add3A_198 = arith.constant 1 : i32
        %add3A_199 = arith.addi %add3A_133, %add3A_198 : i32
        %mul3A_200 = arith.constant 200 : i32
        %mul3A_201 = arith.muli %add3A_199, %mul3A_200 : i32
        %dma_start3A_202 = arith.constant 0 : i32
        %dma_start3A_203 = arith.constant 0 : i32
        %dma_start3A_204 = arith.constant 0 : i32
        %dma_start3A_205 = tpu.memref_slice %arg6[%dma_start3A_202, %dma_start3A_203, %dma_start3A_204] : memref<2x200x128xf32, #tpu.memory_space<vmem>> -> memref<1x104x128xf32, #tpu.memory_space<vmem>>
        %dma_start3A_206 = tpu.memref_squeeze %dma_start3A_205 : memref<1x104x128xf32, #tpu.memory_space<vmem>> -> memref<104x128xf32, #tpu.memory_space<vmem>>
        %dma_start3A_207 = tpu.memref_slice %arg5[%mul3A_201] : memref<6400xi32, #tpu.memory_space<vmem>> -> memref<104xi32, #tpu.memory_space<vmem>>
        %dma_start3A_208 = arith.constant 0 : i32
        %dma_start3A_209 = arith.constant 0 : i32
        %dma_start3A_210 = tpu.memref_slice %arg2[%dma_start3A_208, %dma_start3A_209] : memref<100000x128xf32, #tpu.memory_space<hbm>> -> memref<100000x128xf32, #tpu.memory_space<hbm>>
        tpu.enqueue_indirect_dma source(%dma_start3A_210 : memref<100000x128xf32, #tpu.memory_space<hbm>>) target(%dma_start3A_206 : memref<104x128xf32, #tpu.memory_space<vmem>>) offsets(%dma_start3A_207 : memref<104xi32, #tpu.memory_space<vmem>>) semaphore(%arg8 : memref<!tpu.dma_semaphore, #tpu.memory_space<semaphore_mem>>)
        %add3A_211 = arith.constant 104 : i32
        %add3A_212 = arith.addi %mul3A_201, %add3A_211 : i32
        %dma_start3A_213 = arith.constant 0 : i32
        %dma_start3A_214 = arith.constant 104 : i32
        %dma_start3A_215 = arith.constant 0 : i32
        %dma_start3A_216 = tpu.memref_slice %arg6[%dma_start3A_213, %dma_start3A_214, %dma_start3A_215] : memref<2x200x128xf32, #tpu.memory_space<vmem>> -> memref<1x96x128xf32, #tpu.memory_space<vmem>>
        %dma_start3A_217 = tpu.memref_squeeze %dma_start3A_216 : memref<1x96x128xf32, #tpu.memory_space<vmem>> -> memref<96x128xf32, #tpu.memory_space<vmem>>
        %dma_start3A_218 = tpu.memref_slice %arg5[%add3A_212] : memref<6400xi32, #tpu.memory_space<vmem>> -> memref<96xi32, #tpu.memory_space<vmem>>
        %dma_start3A_219 = arith.constant 0 : i32
        %dma_start3A_220 = arith.constant 0 : i32
        %dma_start3A_221 = tpu.memref_slice %arg2[%dma_start3A_219, %dma_start3A_220] : memref<100000x128xf32, #tpu.memory_space<hbm>> -> memref<100000x128xf32, #tpu.memory_space<hbm>>
        tpu.enqueue_indirect_dma source(%dma_start3A_221 : memref<100000x128xf32, #tpu.memory_space<hbm>>) target(%dma_start3A_217 : memref<96x128xf32, #tpu.memory_space<vmem>>) offsets(%dma_start3A_218 : memref<96xi32, #tpu.memory_space<vmem>>) semaphore(%arg8 : memref<!tpu.dma_semaphore, #tpu.memory_space<semaphore_mem>>)
      } else {
      }
      %ge3A_161 = arith.constant 2 : i32
      %ge3A_162 = arith.cmpi sge, %add3A_133, %ge3A_161 : i32
      %convert_element_type3A_163 = arith.extui %ge3A_162 : i1 to i32
      %cond3A_164 = arith.constant 0 : i32
      %cond3A_165 = arith.cmpi ne, %convert_element_type3A_163, %cond3A_164 : i32
      scf.if %cond3A_165 {
        %dma_wait3A_198 = arith.constant 1 : i32
        %dma_wait3A_199 = arith.constant 0 : i32
        %dma_wait3A_200 = arith.constant 0 : i32
        %dma_wait3A_201 = arith.constant 0 : i32
        %dma_wait3A_202 = tpu.memref_slice %arg7[%dma_wait3A_198, %dma_wait3A_199, %dma_wait3A_200, %dma_wait3A_201] : memref<2x4x50x64xf32, #tpu.memory_space<vmem>> -> memref<1x4x50x64xf32, #tpu.memory_space<vmem>>
        %dma_wait3A_203 = tpu.memref_squeeze %dma_wait3A_202 : memref<1x4x50x64xf32, #tpu.memory_space<vmem>> -> memref<4x50x64xf32, #tpu.memory_space<vmem>>
        %dma_wait3A_204 = arith.constant 0 : i32
        %dma_wait3A_205 = arith.constant 0 : i32
        %dma_wait3A_206 = arith.constant 0 : i32
        %dma_wait3A_207 = tpu.memref_slice %arg4[%dma_wait3A_204, %dma_wait3A_205, %dma_wait3A_206] : memref<4096x50x64xf32, #tpu.memory_space<hbm>> -> memref<4x50x64xf32, #tpu.memory_space<hbm>>
        %dma_wait3A_208 = arith.constant 0 : i32
        %dma_wait3A_209 = arith.constant 0 : i32
        %dma_wait3A_210 = arith.constant 0 : i32
        %dma_wait3A_211 = tpu.memref_slice %arg4[%dma_wait3A_208, %dma_wait3A_209, %dma_wait3A_210] : memref<4096x50x64xf32, #tpu.memory_space<hbm>> -> memref<4x50x64xf32, #tpu.memory_space<hbm>>
        %dma_wait3A_212 = arith.constant 0 : i32
        %dma_wait3A_213 = arith.constant 0 : i32
        %dma_wait3A_214 = arith.constant 0 : i32
        %dma_wait3A_215 = tpu.memref_slice %arg7[%dma_wait3A_198, %dma_wait3A_212, %dma_wait3A_213, %dma_wait3A_214] : memref<2x4x50x64xf32, #tpu.memory_space<vmem>> -> memref<1x4x50x64xf32, #tpu.memory_space<vmem>>
        %dma_wait3A_216 = tpu.memref_squeeze %dma_wait3A_215 : memref<1x4x50x64xf32, #tpu.memory_space<vmem>> -> memref<4x50x64xf32, #tpu.memory_space<vmem>>
        tpu.wait_dma2 semaphore(%arg11 : memref<!tpu.dma_semaphore, #tpu.memory_space<semaphore_mem>>) src(%dma_wait3A_216 : memref<4x50x64xf32, #tpu.memory_space<vmem>>) dst(%dma_wait3A_211 : memref<4x50x64xf32, #tpu.memory_space<hbm>>)
      } else {
      }
      %parallel_loop3A_166 = arith.constant 0 : i32
      %parallel_loop3A_167 = arith.constant 200 : i32
      %parallel_loop3A_168 = arith.constant 1 : i32
      scf.for %parallel_loop3A_198 = %parallel_loop3A_166 to %parallel_loop3A_167 step %parallel_loop3A_168  : i32 {
        %parallel_loop3A_199 = arith.constant 4 : i32
        %parallel_loop3A_200 = arith.divsi %parallel_loop3A_198, %parallel_loop3A_199 : i32
        %parallel_loop3A_201 = arith.constant 0 : i32
        %parallel_loop3A_202 = arith.cmpi sgt, %parallel_loop3A_198, %parallel_loop3A_201 : i32
        %parallel_loop3A_203 = arith.extui %parallel_loop3A_202 : i1 to i32
        %parallel_loop3A_204 = arith.constant 0 : i32
        %parallel_loop3A_205 = arith.cmpi slt, %parallel_loop3A_198, %parallel_loop3A_204 : i32
        %parallel_loop3A_206 = arith.extui %parallel_loop3A_205 : i1 to i32
        %parallel_loop3A_207 = arith.subi %parallel_loop3A_203, %parallel_loop3A_206 : i32
        %parallel_loop3A_208 = arith.constant 0 : i32
        %parallel_loop3A_209 = arith.cmpi sgt, %parallel_loop3A_199, %parallel_loop3A_208 : i32
        %parallel_loop3A_210 = arith.extui %parallel_loop3A_209 : i1 to i32
        %parallel_loop3A_211 = arith.constant 0 : i32
        %parallel_loop3A_212 = arith.cmpi slt, %parallel_loop3A_199, %parallel_loop3A_211 : i32
        %parallel_loop3A_213 = arith.extui %parallel_loop3A_212 : i1 to i32
        %parallel_loop3A_214 = arith.subi %parallel_loop3A_210, %parallel_loop3A_213 : i32
        %parallel_loop3A_215 = arith.cmpi ne, %parallel_loop3A_207, %parallel_loop3A_214 : i32
        %parallel_loop3A_216 = arith.remsi %parallel_loop3A_198, %parallel_loop3A_199 : i32
        %parallel_loop3A_217 = arith.constant 0 : i32
        %parallel_loop3A_218 = arith.cmpi ne, %parallel_loop3A_216, %parallel_loop3A_217 : i32
        %parallel_loop3A_219 = arith.andi %parallel_loop3A_215, %parallel_loop3A_218 : i1
        %parallel_loop3A_220 = arith.constant 1 : i32
        %parallel_loop3A_221 = arith.subi %parallel_loop3A_200, %parallel_loop3A_220 : i32
        %parallel_loop3A_222 = arith.select %parallel_loop3A_219, %parallel_loop3A_221, %parallel_loop3A_200 : i32
        %parallel_loop3A_223 = arith.constant 4 : i32
        %parallel_loop3A_224 = arith.constant 0 : i32
        %parallel_loop3A_225 = arith.cmpi eq, %parallel_loop3A_223, %parallel_loop3A_224 : i32
        %parallel_loop3A_226 = arith.constant 1 : i32
        %parallel_loop3A_227 = arith.select %parallel_loop3A_225, %parallel_loop3A_226, %parallel_loop3A_223 : i32
        %parallel_loop3A_228 = arith.remsi %parallel_loop3A_198, %parallel_loop3A_227 : i32
        %parallel_loop3A_229 = arith.constant 0 : i32
        %parallel_loop3A_230 = arith.cmpi ne, %parallel_loop3A_228, %parallel_loop3A_229 : i32
        %parallel_loop3A_231 = arith.constant 0 : i32
        %parallel_loop3A_232 = arith.cmpi slt, %parallel_loop3A_228, %parallel_loop3A_231 : i32
        %parallel_loop3A_233 = arith.constant 0 : i32
        %parallel_loop3A_234 = arith.cmpi slt, %parallel_loop3A_227, %parallel_loop3A_233 : i32
        %parallel_loop3A_235 = arith.xori %parallel_loop3A_232, %parallel_loop3A_234 : i1
        %parallel_loop3A_236 = arith.andi %parallel_loop3A_235, %parallel_loop3A_230 : i1
        %parallel_loop3A_237 = arith.addi %parallel_loop3A_228, %parallel_loop3A_227 : i32
        %parallel_loop3A_238 = arith.select %parallel_loop3A_236, %parallel_loop3A_237, %parallel_loop3A_228 : i32
        %parallel_loop3A_239 = arith.constant 16 : i32
        %parallel_loop3A_240 = arith.muli %parallel_loop3A_238, %parallel_loop3A_239 : i32
        %parallel_loop3A_241 = arith.constant 0 : i32
        %parallel_loop3A_242 = arith.addi %parallel_loop3A_241, %parallel_loop3A_222 : i32
        %parallel_loop3A_243 = arith.constant 1 : i32
        %parallel_loop3A_244 = arith.index_cast %parallel_loop3A_243 : i32 to index
        %parallel_loop3A_245 = arith.index_cast %parallel_loop3A_242 : i32 to index
        %parallel_loop3A_246 = arith.index_cast %parallel_loop3A_240 : i32 to index
        %parallel_loop3A_247 = tpu.vector_load %arg6[%parallel_loop3A_244, %parallel_loop3A_245, %parallel_loop3A_246] {strides = array<i32>} : memref<2x200x128xf32, #tpu.memory_space<vmem>>, vector<1x1x16xf32>,
        %parallel_loop3A_248 = vector.shape_cast %parallel_loop3A_247 : vector<1x1x16xf32> to vector<16xf32>
        %parallel_loop3A_249 = arith.constant 1.000000e+01 : f32
        %parallel_loop3A_250 = vector.broadcast %parallel_loop3A_249 : f32 to vector<16xf32>
        %parallel_loop3A_251 = arith.mulf %parallel_loop3A_248, %parallel_loop3A_250 : vector<16xf32>
        %parallel_loop3A_252 = arith.constant 1 : i32
        %parallel_loop3A_253 = arith.constant 0 : i32
        %parallel_loop3A_254 = arith.index_cast %parallel_loop3A_252 : i32 to index
        %parallel_loop3A_255 = arith.index_cast %parallel_loop3A_253 : i32 to index
        %parallel_loop3A_256 = arith.index_cast %parallel_loop3A_222 : i32 to index
        %parallel_loop3A_257 = arith.index_cast %parallel_loop3A_240 : i32 to index
        %parallel_loop3A_258 = tpu.vector_load %arg7[%parallel_loop3A_254, %parallel_loop3A_255, %parallel_loop3A_256, %parallel_loop3A_257] {strides = array<i32>} : memref<2x4x50x64xf32, #tpu.memory_space<vmem>>, vector<1x1x1x16xf32>,
        %parallel_loop3A_259 = vector.shape_cast %parallel_loop3A_258 : vector<1x1x1x16xf32> to vector<16xf32>
        %parallel_loop3A_260 = vector.shape_cast %parallel_loop3A_251 : vector<16xf32> to vector<1x1x1x16xf32>
        tpu.vector_store %arg7[%parallel_loop3A_254, %parallel_loop3A_255, %parallel_loop3A_256, %parallel_loop3A_257], %parallel_loop3A_260 {strides = array<i32>} : memref<2x4x50x64xf32, #tpu.memory_space<vmem>>, vector<1x1x1x16xf32>,
      } {sc.loop_unroll_factor = 8 : i64, sc.parallel_access}
      %parallel_loop3A_169 = arith.constant 0 : i32
      %parallel_loop3A_170 = arith.constant 200 : i32
      %parallel_loop3A_171 = arith.constant 1 : i32
      scf.for %parallel_loop3A_198 = %parallel_loop3A_169 to %parallel_loop3A_170 step %parallel_loop3A_171  : i32 {
        %parallel_loop3A_199 = arith.constant 4 : i32
        %parallel_loop3A_200 = arith.divsi %parallel_loop3A_198, %parallel_loop3A_199 : i32
        %parallel_loop3A_201 = arith.constant 0 : i32
        %parallel_loop3A_202 = arith.cmpi sgt, %parallel_loop3A_198, %parallel_loop3A_201 : i32
        %parallel_loop3A_203 = arith.extui %parallel_loop3A_202 : i1 to i32
        %parallel_loop3A_204 = arith.constant 0 : i32
        %parallel_loop3A_205 = arith.cmpi slt, %parallel_loop3A_198, %parallel_loop3A_204 : i32
        %parallel_loop3A_206 = arith.extui %parallel_loop3A_205 : i1 to i32
        %parallel_loop3A_207 = arith.subi %parallel_loop3A_203, %parallel_loop3A_206 : i32
        %parallel_loop3A_208 = arith.constant 0 : i32
        %parallel_loop3A_209 = arith.cmpi sgt, %parallel_loop3A_199, %parallel_loop3A_208 : i32
        %parallel_loop3A_210 = arith.extui %parallel_loop3A_209 : i1 to i32
        %parallel_loop3A_211 = arith.constant 0 : i32
        %parallel_loop3A_212 = arith.cmpi slt, %parallel_loop3A_199, %parallel_loop3A_211 : i32
        %parallel_loop3A_213 = arith.extui %parallel_loop3A_212 : i1 to i32
        %parallel_loop3A_214 = arith.subi %parallel_loop3A_210, %parallel_loop3A_213 : i32
        %parallel_loop3A_215 = arith.cmpi ne, %parallel_loop3A_207, %parallel_loop3A_214 : i32
        %parallel_loop3A_216 = arith.remsi %parallel_loop3A_198, %parallel_loop3A_199 : i32
        %parallel_loop3A_217 = arith.constant 0 : i32
        %parallel_loop3A_218 = arith.cmpi ne, %parallel_loop3A_216, %parallel_loop3A_217 : i32
        %parallel_loop3A_219 = arith.andi %parallel_loop3A_215, %parallel_loop3A_218 : i1
        %parallel_loop3A_220 = arith.constant 1 : i32
        %parallel_loop3A_221 = arith.subi %parallel_loop3A_200, %parallel_loop3A_220 : i32
        %parallel_loop3A_222 = arith.select %parallel_loop3A_219, %parallel_loop3A_221, %parallel_loop3A_200 : i32
        %parallel_loop3A_223 = arith.constant 4 : i32
        %parallel_loop3A_224 = arith.constant 0 : i32
        %parallel_loop3A_225 = arith.cmpi eq, %parallel_loop3A_223, %parallel_loop3A_224 : i32
        %parallel_loop3A_226 = arith.constant 1 : i32
        %parallel_loop3A_227 = arith.select %parallel_loop3A_225, %parallel_loop3A_226, %parallel_loop3A_223 : i32
        %parallel_loop3A_228 = arith.remsi %parallel_loop3A_198, %parallel_loop3A_227 : i32
        %parallel_loop3A_229 = arith.constant 0 : i32
        %parallel_loop3A_230 = arith.cmpi ne, %parallel_loop3A_228, %parallel_loop3A_229 : i32
        %parallel_loop3A_231 = arith.constant 0 : i32
        %parallel_loop3A_232 = arith.cmpi slt, %parallel_loop3A_228, %parallel_loop3A_231 : i32
        %parallel_loop3A_233 = arith.constant 0 : i32
        %parallel_loop3A_234 = arith.cmpi slt, %parallel_loop3A_227, %parallel_loop3A_233 : i32
        %parallel_loop3A_235 = arith.xori %parallel_loop3A_232, %parallel_loop3A_234 : i1
        %parallel_loop3A_236 = arith.andi %parallel_loop3A_235, %parallel_loop3A_230 : i1
        %parallel_loop3A_237 = arith.addi %parallel_loop3A_228, %parallel_loop3A_227 : i32
        %parallel_loop3A_238 = arith.select %parallel_loop3A_236, %parallel_loop3A_237, %parallel_loop3A_228 : i32
        %parallel_loop3A_239 = arith.constant 16 : i32
        %parallel_loop3A_240 = arith.muli %parallel_loop3A_238, %parallel_loop3A_239 : i32
        %parallel_loop3A_241 = arith.constant 50 : i32
        %parallel_loop3A_242 = arith.addi %parallel_loop3A_241, %parallel_loop3A_222 : i32
        %parallel_loop3A_243 = arith.constant 1 : i32
        %parallel_loop3A_244 = arith.index_cast %parallel_loop3A_243 : i32 to index
        %parallel_loop3A_245 = arith.index_cast %parallel_loop3A_242 : i32 to index
        %parallel_loop3A_246 = arith.index_cast %parallel_loop3A_240 : i32 to index
        %parallel_loop3A_247 = tpu.vector_load %arg6[%parallel_loop3A_244, %parallel_loop3A_245, %parallel_loop3A_246] {strides = array<i32>} : memref<2x200x128xf32, #tpu.memory_space<vmem>>, vector<1x1x16xf32>,
        %parallel_loop3A_248 = vector.shape_cast %parallel_loop3A_247 : vector<1x1x16xf32> to vector<16xf32>
        %parallel_loop3A_249 = arith.constant 1.000000e+01 : f32
        %parallel_loop3A_250 = vector.broadcast %parallel_loop3A_249 : f32 to vector<16xf32>
        %parallel_loop3A_251 = arith.mulf %parallel_loop3A_248, %parallel_loop3A_250 : vector<16xf32>
        %parallel_loop3A_252 = arith.constant 1 : i32
        %parallel_loop3A_253 = arith.constant 1 : i32
        %parallel_loop3A_254 = arith.index_cast %parallel_loop3A_252 : i32 to index
        %parallel_loop3A_255 = arith.index_cast %parallel_loop3A_253 : i32 to index
        %parallel_loop3A_256 = arith.index_cast %parallel_loop3A_222 : i32 to index
        %parallel_loop3A_257 = arith.index_cast %parallel_loop3A_240 : i32 to index
        %parallel_loop3A_258 = tpu.vector_load %arg7[%parallel_loop3A_254, %parallel_loop3A_255, %parallel_loop3A_256, %parallel_loop3A_257] {strides = array<i32>} : memref<2x4x50x64xf32, #tpu.memory_space<vmem>>, vector<1x1x1x16xf32>,
        %parallel_loop3A_259 = vector.shape_cast %parallel_loop3A_258 : vector<1x1x1x16xf32> to vector<16xf32>
        %parallel_loop3A_260 = vector.shape_cast %parallel_loop3A_251 : vector<16xf32> to vector<1x1x1x16xf32>
        tpu.vector_store %arg7[%parallel_loop3A_254, %parallel_loop3A_255, %parallel_loop3A_256, %parallel_loop3A_257], %parallel_loop3A_260 {strides = array<i32>} : memref<2x4x50x64xf32, #tpu.memory_space<vmem>>, vector<1x1x1x16xf32>,
      } {sc.loop_unroll_factor = 8 : i64, sc.parallel_access}
      %parallel_loop3A_172 = arith.constant 0 : i32
      %parallel_loop3A_173 = arith.constant 200 : i32
      %parallel_loop3A_174 = arith.constant 1 : i32
      scf.for %parallel_loop3A_198 = %parallel_loop3A_172 to %parallel_loop3A_173 step %parallel_loop3A_174  : i32 {
        %parallel_loop3A_199 = arith.constant 4 : i32
        %parallel_loop3A_200 = arith.divsi %parallel_loop3A_198, %parallel_loop3A_199 : i32
        %parallel_loop3A_201 = arith.constant 0 : i32
        %parallel_loop3A_202 = arith.cmpi sgt, %parallel_loop3A_198, %parallel_loop3A_201 : i32
        %parallel_loop3A_203 = arith.extui %parallel_loop3A_202 : i1 to i32
        %parallel_loop3A_204 = arith.constant 0 : i32
        %parallel_loop3A_205 = arith.cmpi slt, %parallel_loop3A_198, %parallel_loop3A_204 : i32
        %parallel_loop3A_206 = arith.extui %parallel_loop3A_205 : i1 to i32
        %parallel_loop3A_207 = arith.subi %parallel_loop3A_203, %parallel_loop3A_206 : i32
        %parallel_loop3A_208 = arith.constant 0 : i32
        %parallel_loop3A_209 = arith.cmpi sgt, %parallel_loop3A_199, %parallel_loop3A_208 : i32
        %parallel_loop3A_210 = arith.extui %parallel_loop3A_209 : i1 to i32
        %parallel_loop3A_211 = arith.constant 0 : i32
        %parallel_loop3A_212 = arith.cmpi slt, %parallel_loop3A_199, %parallel_loop3A_211 : i32
        %parallel_loop3A_213 = arith.extui %parallel_loop3A_212 : i1 to i32
        %parallel_loop3A_214 = arith.subi %parallel_loop3A_210, %parallel_loop3A_213 : i32
        %parallel_loop3A_215 = arith.cmpi ne, %parallel_loop3A_207, %parallel_loop3A_214 : i32
        %parallel_loop3A_216 = arith.remsi %parallel_loop3A_198, %parallel_loop3A_199 : i32
        %parallel_loop3A_217 = arith.constant 0 : i32
        %parallel_loop3A_218 = arith.cmpi ne, %parallel_loop3A_216, %parallel_loop3A_217 : i32
        %parallel_loop3A_219 = arith.andi %parallel_loop3A_215, %parallel_loop3A_218 : i1
        %parallel_loop3A_220 = arith.constant 1 : i32
        %parallel_loop3A_221 = arith.subi %parallel_loop3A_200, %parallel_loop3A_220 : i32
        %parallel_loop3A_222 = arith.select %parallel_loop3A_219, %parallel_loop3A_221, %parallel_loop3A_200 : i32
        %parallel_loop3A_223 = arith.constant 4 : i32
        %parallel_loop3A_224 = arith.constant 0 : i32
        %parallel_loop3A_225 = arith.cmpi eq, %parallel_loop3A_223, %parallel_loop3A_224 : i32
        %parallel_loop3A_226 = arith.constant 1 : i32
        %parallel_loop3A_227 = arith.select %parallel_loop3A_225, %parallel_loop3A_226, %parallel_loop3A_223 : i32
        %parallel_loop3A_228 = arith.remsi %parallel_loop3A_198, %parallel_loop3A_227 : i32
        %parallel_loop3A_229 = arith.constant 0 : i32
        %parallel_loop3A_230 = arith.cmpi ne, %parallel_loop3A_228, %parallel_loop3A_229 : i32
        %parallel_loop3A_231 = arith.constant 0 : i32
        %parallel_loop3A_232 = arith.cmpi slt, %parallel_loop3A_228, %parallel_loop3A_231 : i32
        %parallel_loop3A_233 = arith.constant 0 : i32
        %parallel_loop3A_234 = arith.cmpi slt, %parallel_loop3A_227, %parallel_loop3A_233 : i32
        %parallel_loop3A_235 = arith.xori %parallel_loop3A_232, %parallel_loop3A_234 : i1
        %parallel_loop3A_236 = arith.andi %parallel_loop3A_235, %parallel_loop3A_230 : i1
        %parallel_loop3A_237 = arith.addi %parallel_loop3A_228, %parallel_loop3A_227 : i32
        %parallel_loop3A_238 = arith.select %parallel_loop3A_236, %parallel_loop3A_237, %parallel_loop3A_228 : i32
        %parallel_loop3A_239 = arith.constant 16 : i32
        %parallel_loop3A_240 = arith.muli %parallel_loop3A_238, %parallel_loop3A_239 : i32
        %parallel_loop3A_241 = arith.constant 100 : i32
        %parallel_loop3A_242 = arith.addi %parallel_loop3A_241, %parallel_loop3A_222 : i32
        %parallel_loop3A_243 = arith.constant 1 : i32
        %parallel_loop3A_244 = arith.index_cast %parallel_loop3A_243 : i32 to index
        %parallel_loop3A_245 = arith.index_cast %parallel_loop3A_242 : i32 to index
        %parallel_loop3A_246 = arith.index_cast %parallel_loop3A_240 : i32 to index
        %parallel_loop3A_247 = tpu.vector_load %arg6[%parallel_loop3A_244, %parallel_loop3A_245, %parallel_loop3A_246] {strides = array<i32>} : memref<2x200x128xf32, #tpu.memory_space<vmem>>, vector<1x1x16xf32>,
        %parallel_loop3A_248 = vector.shape_cast %parallel_loop3A_247 : vector<1x1x16xf32> to vector<16xf32>
        %parallel_loop3A_249 = arith.constant 1.000000e+01 : f32
        %parallel_loop3A_250 = vector.broadcast %parallel_loop3A_249 : f32 to vector<16xf32>
        %parallel_loop3A_251 = arith.mulf %parallel_loop3A_248, %parallel_loop3A_250 : vector<16xf32>
        %parallel_loop3A_252 = arith.constant 1 : i32
        %parallel_loop3A_253 = arith.constant 2 : i32
        %parallel_loop3A_254 = arith.index_cast %parallel_loop3A_252 : i32 to index
        %parallel_loop3A_255 = arith.index_cast %parallel_loop3A_253 : i32 to index
        %parallel_loop3A_256 = arith.index_cast %parallel_loop3A_222 : i32 to index
        %parallel_loop3A_257 = arith.index_cast %parallel_loop3A_240 : i32 to index
        %parallel_loop3A_258 = tpu.vector_load %arg7[%parallel_loop3A_254, %parallel_loop3A_255, %parallel_loop3A_256, %parallel_loop3A_257] {strides = array<i32>} : memref<2x4x50x64xf32, #tpu.memory_space<vmem>>, vector<1x1x1x16xf32>,
        %parallel_loop3A_259 = vector.shape_cast %parallel_loop3A_258 : vector<1x1x1x16xf32> to vector<16xf32>
        %parallel_loop3A_260 = vector.shape_cast %parallel_loop3A_251 : vector<16xf32> to vector<1x1x1x16xf32>
        tpu.vector_store %arg7[%parallel_loop3A_254, %parallel_loop3A_255, %parallel_loop3A_256, %parallel_loop3A_257], %parallel_loop3A_260 {strides = array<i32>} : memref<2x4x50x64xf32, #tpu.memory_space<vmem>>, vector<1x1x1x16xf32>,
      } {sc.loop_unroll_factor = 8 : i64, sc.parallel_access}
      %parallel_loop3A_175 = arith.constant 0 : i32
      %parallel_loop3A_176 = arith.constant 200 : i32
      %parallel_loop3A_177 = arith.constant 1 : i32
      scf.for %parallel_loop3A_198 = %parallel_loop3A_175 to %parallel_loop3A_176 step %parallel_loop3A_177  : i32 {
        %parallel_loop3A_199 = arith.constant 4 : i32
        %parallel_loop3A_200 = arith.divsi %parallel_loop3A_198, %parallel_loop3A_199 : i32
        %parallel_loop3A_201 = arith.constant 0 : i32
        %parallel_loop3A_202 = arith.cmpi sgt, %parallel_loop3A_198, %parallel_loop3A_201 : i32
        %parallel_loop3A_203 = arith.extui %parallel_loop3A_202 : i1 to i32
        %parallel_loop3A_204 = arith.constant 0 : i32
        %parallel_loop3A_205 = arith.cmpi slt, %parallel_loop3A_198, %parallel_loop3A_204 : i32
        %parallel_loop3A_206 = arith.extui %parallel_loop3A_205 : i1 to i32
        %parallel_loop3A_207 = arith.subi %parallel_loop3A_203, %parallel_loop3A_206 : i32
        %parallel_loop3A_208 = arith.constant 0 : i32
        %parallel_loop3A_209 = arith.cmpi sgt, %parallel_loop3A_199, %parallel_loop3A_208 : i32
        %parallel_loop3A_210 = arith.extui %parallel_loop3A_209 : i1 to i32
        %parallel_loop3A_211 = arith.constant 0 : i32
        %parallel_loop3A_212 = arith.cmpi slt, %parallel_loop3A_199, %parallel_loop3A_211 : i32
        %parallel_loop3A_213 = arith.extui %parallel_loop3A_212 : i1 to i32
        %parallel_loop3A_214 = arith.subi %parallel_loop3A_210, %parallel_loop3A_213 : i32
        %parallel_loop3A_215 = arith.cmpi ne, %parallel_loop3A_207, %parallel_loop3A_214 : i32
        %parallel_loop3A_216 = arith.remsi %parallel_loop3A_198, %parallel_loop3A_199 : i32
        %parallel_loop3A_217 = arith.constant 0 : i32
        %parallel_loop3A_218 = arith.cmpi ne, %parallel_loop3A_216, %parallel_loop3A_217 : i32
        %parallel_loop3A_219 = arith.andi %parallel_loop3A_215, %parallel_loop3A_218 : i1
        %parallel_loop3A_220 = arith.constant 1 : i32
        %parallel_loop3A_221 = arith.subi %parallel_loop3A_200, %parallel_loop3A_220 : i32
        %parallel_loop3A_222 = arith.select %parallel_loop3A_219, %parallel_loop3A_221, %parallel_loop3A_200 : i32
        %parallel_loop3A_223 = arith.constant 4 : i32
        %parallel_loop3A_224 = arith.constant 0 : i32
        %parallel_loop3A_225 = arith.cmpi eq, %parallel_loop3A_223, %parallel_loop3A_224 : i32
        %parallel_loop3A_226 = arith.constant 1 : i32
        %parallel_loop3A_227 = arith.select %parallel_loop3A_225, %parallel_loop3A_226, %parallel_loop3A_223 : i32
        %parallel_loop3A_228 = arith.remsi %parallel_loop3A_198, %parallel_loop3A_227 : i32
        %parallel_loop3A_229 = arith.constant 0 : i32
        %parallel_loop3A_230 = arith.cmpi ne, %parallel_loop3A_228, %parallel_loop3A_229 : i32
        %parallel_loop3A_231 = arith.constant 0 : i32
        %parallel_loop3A_232 = arith.cmpi slt, %parallel_loop3A_228, %parallel_loop3A_231 : i32
        %parallel_loop3A_233 = arith.constant 0 : i32
        %parallel_loop3A_234 = arith.cmpi slt, %parallel_loop3A_227, %parallel_loop3A_233 : i32
        %parallel_loop3A_235 = arith.xori %parallel_loop3A_232, %parallel_loop3A_234 : i1
        %parallel_loop3A_236 = arith.andi %parallel_loop3A_235, %parallel_loop3A_230 : i1
        %parallel_loop3A_237 = arith.addi %parallel_loop3A_228, %parallel_loop3A_227 : i32
        %parallel_loop3A_238 = arith.select %parallel_loop3A_236, %parallel_loop3A_237, %parallel_loop3A_228 : i32
        %parallel_loop3A_239 = arith.constant 16 : i32
        %parallel_loop3A_240 = arith.muli %parallel_loop3A_238, %parallel_loop3A_239 : i32
        %parallel_loop3A_241 = arith.constant 150 : i32
        %parallel_loop3A_242 = arith.addi %parallel_loop3A_241, %parallel_loop3A_222 : i32
        %parallel_loop3A_243 = arith.constant 1 : i32
        %parallel_loop3A_244 = arith.index_cast %parallel_loop3A_243 : i32 to index
        %parallel_loop3A_245 = arith.index_cast %parallel_loop3A_242 : i32 to index
        %parallel_loop3A_246 = arith.index_cast %parallel_loop3A_240 : i32 to index
        %parallel_loop3A_247 = tpu.vector_load %arg6[%parallel_loop3A_244, %parallel_loop3A_245, %parallel_loop3A_246] {strides = array<i32>} : memref<2x200x128xf32, #tpu.memory_space<vmem>>, vector<1x1x16xf32>,
        %parallel_loop3A_248 = vector.shape_cast %parallel_loop3A_247 : vector<1x1x16xf32> to vector<16xf32>
        %parallel_loop3A_249 = arith.constant 1.000000e+01 : f32
        %parallel_loop3A_250 = vector.broadcast %parallel_loop3A_249 : f32 to vector<16xf32>
        %parallel_loop3A_251 = arith.mulf %parallel_loop3A_248, %parallel_loop3A_250 : vector<16xf32>
        %parallel_loop3A_252 = arith.constant 1 : i32
        %parallel_loop3A_253 = arith.constant 3 : i32
        %parallel_loop3A_254 = arith.index_cast %parallel_loop3A_252 : i32 to index
        %parallel_loop3A_255 = arith.index_cast %parallel_loop3A_253 : i32 to index
        %parallel_loop3A_256 = arith.index_cast %parallel_loop3A_222 : i32 to index
        %parallel_loop3A_257 = arith.index_cast %parallel_loop3A_240 : i32 to index
        %parallel_loop3A_258 = tpu.vector_load %arg7[%parallel_loop3A_254, %parallel_loop3A_255, %parallel_loop3A_256, %parallel_loop3A_257] {strides = array<i32>} : memref<2x4x50x64xf32, #tpu.memory_space<vmem>>, vector<1x1x1x16xf32>,
        %parallel_loop3A_259 = vector.shape_cast %parallel_loop3A_258 : vector<1x1x1x16xf32> to vector<16xf32>
        %parallel_loop3A_260 = vector.shape_cast %parallel_loop3A_251 : vector<16xf32> to vector<1x1x1x16xf32>
        tpu.vector_store %arg7[%parallel_loop3A_254, %parallel_loop3A_255, %parallel_loop3A_256, %parallel_loop3A_257], %parallel_loop3A_260 {strides = array<i32>} : memref<2x4x50x64xf32, #tpu.memory_space<vmem>>, vector<1x1x1x16xf32>,
      } {sc.loop_unroll_factor = 8 : i64, sc.parallel_access}
      %mul3A_178 = arith.constant 4 : i32
      %mul3A_179 = arith.muli %add3A_133, %mul3A_178 : i32
      %add3A_180 = arith.addi %mul3A_4, %mul3A_179 : i32
      %dma_start3A_181 = arith.constant 1 : i32
      %dma_start3A_182 = arith.constant 0 : i32
      %dma_start3A_183 = arith.constant 0 : i32
      %dma_start3A_184 = arith.constant 0 : i32
      %dma_start3A_185 = tpu.memref_slice %arg7[%dma_start3A_181, %dma_start3A_182, %dma_start3A_183, %dma_start3A_184] : memref<2x4x50x64xf32, #tpu.memory_space<vmem>> -> memref<1x4x50x64xf32, #tpu.memory_space<vmem>>
      %dma_start3A_186 = tpu.memref_squeeze %dma_start3A_185 : memref<1x4x50x64xf32, #tpu.memory_space<vmem>> -> memref<4x50x64xf32, #tpu.memory_space<vmem>>
      %dma_start3A_187 = arith.constant 0 : i32
      %dma_start3A_188 = arith.constant 0 : i32
      %dma_start3A_189 = tpu.memref_slice %arg4[%add3A_180, %dma_start3A_187, %dma_start3A_188] : memref<4096x50x64xf32, #tpu.memory_space<hbm>> -> memref<4x50x64xf32, #tpu.memory_space<hbm>>
      %dma_start3A_190 = arith.constant 0 : i32
      %dma_start3A_191 = arith.constant 0 : i32
      %dma_start3A_192 = tpu.memref_slice %arg4[%add3A_180, %dma_start3A_190, %dma_start3A_191] : memref<4096x50x64xf32, #tpu.memory_space<hbm>> -> memref<4x50x64xf32, #tpu.memory_space<hbm>>
      %dma_start3A_193 = arith.constant 0 : i32
      %dma_start3A_194 = arith.constant 0 : i32
      %dma_start3A_195 = arith.constant 0 : i32
      %dma_start3A_196 = tpu.memref_slice %arg7[%dma_start3A_181, %dma_start3A_193, %dma_start3A_194, %dma_start3A_195] : memref<2x4x50x64xf32, #tpu.memory_space<vmem>> -> memref<1x4x50x64xf32, #tpu.memory_space<vmem>>
      %dma_start3A_197 = tpu.memref_squeeze %dma_start3A_196 : memref<1x4x50x64xf32, #tpu.memory_space<vmem>> -> memref<4x50x64xf32, #tpu.memory_space<vmem>>
      tpu.enqueue_dma source(%dma_start3A_197 : memref<4x50x64xf32, #tpu.memory_space<vmem>>) target(%dma_start3A_192 : memref<4x50x64xf32, #tpu.memory_space<hbm>>) target_semaphore(%arg11 : memref<!tpu.dma_semaphore, #tpu.memory_space<semaphore_mem>>)
    }
    %scan3A_28 = arith.constant 16 : i32
    %dma_wait3A = arith.constant 0 : i32
    %dma_wait3A_29 = arith.constant 0 : i32
    %dma_wait3A_30 = arith.constant 0 : i32
    %dma_wait3A_31 = arith.constant 0 : i32
    %dma_wait3A_32 = tpu.memref_slice %arg7[%dma_wait3A, %dma_wait3A_29, %dma_wait3A_30, %dma_wait3A_31] : memref<2x4x50x64xf32, #tpu.memory_space<vmem>> -> memref<1x4x50x64xf32, #tpu.memory_space<vmem>>
    %dma_wait3A_33 = tpu.memref_squeeze %dma_wait3A_32 : memref<1x4x50x64xf32, #tpu.memory_space<vmem>> -> memref<4x50x64xf32, #tpu.memory_space<vmem>>
    %dma_wait3A_34 = arith.constant 0 : i32
    %dma_wait3A_35 = arith.constant 0 : i32
    %dma_wait3A_36 = arith.constant 0 : i32
    %dma_wait3A_37 = tpu.memref_slice %arg4[%dma_wait3A_34, %dma_wait3A_35, %dma_wait3A_36] : memref<4096x50x64xf32, #tpu.memory_space<hbm>> -> memref<4x50x64xf32, #tpu.memory_space<hbm>>
    %dma_wait3A_38 = arith.constant 0 : i32
    %dma_wait3A_39 = arith.constant 0 : i32
    %dma_wait3A_40 = arith.constant 0 : i32
    %dma_wait3A_41 = tpu.memref_slice %arg4[%dma_wait3A_38, %dma_wait3A_39, %dma_wait3A_40] : memref<4096x50x64xf32, #tpu.memory_space<hbm>> -> memref<4x50x64xf32, #tpu.memory_space<hbm>>
    %dma_wait3A_42 = arith.constant 0 : i32
    %dma_wait3A_43 = arith.constant 0 : i32
    %dma_wait3A_44 = arith.constant 0 : i32
    %dma_wait3A_45 = tpu.memref_slice %arg7[%dma_wait3A, %dma_wait3A_42, %dma_wait3A_43, %dma_wait3A_44] : memref<2x4x50x64xf32, #tpu.memory_space<vmem>> -> memref<1x4x50x64xf32, #tpu.memory_space<vmem>>
    %dma_wait3A_46 = tpu.memref_squeeze %dma_wait3A_45 : memref<1x4x50x64xf32, #tpu.memory_space<vmem>> -> memref<4x50x64xf32, #tpu.memory_space<vmem>>
    tpu.wait_dma2 semaphore(%arg10 : memref<!tpu.dma_semaphore, #tpu.memory_space<semaphore_mem>>) src(%dma_wait3A_46 : memref<4x50x64xf32, #tpu.memory_space<vmem>>) dst(%dma_wait3A_41 : memref<4x50x64xf32, #tpu.memory_space<hbm>>)
    %dma_wait3A_47 = arith.constant 1 : i32
    %dma_wait3A_48 = arith.constant 0 : i32
    %dma_wait3A_49 = arith.constant 0 : i32
    %dma_wait3A_50 = arith.constant 0 : i32
    %dma_wait3A_51 = tpu.memref_slice %arg7[%dma_wait3A_47, %dma_wait3A_48, %dma_wait3A_49, %dma_wait3A_50] : memref<2x4x50x64xf32, #tpu.memory_space<vmem>> -> memref<1x4x50x64xf32, #tpu.memory_space<vmem>>
    %dma_wait3A_52 = tpu.memref_squeeze %dma_wait3A_51 : memref<1x4x50x64xf32, #tpu.memory_space<vmem>> -> memref<4x50x64xf32, #tpu.memory_space<vmem>>
    %dma_wait3A_53 = arith.constant 0 : i32
    %dma_wait3A_54 = arith.constant 0 : i32
    %dma_wait3A_55 = arith.constant 0 : i32
    %dma_wait3A_56 = tpu.memref_slice %arg4[%dma_wait3A_53, %dma_wait3A_54, %dma_wait3A_55] : memref<4096x50x64xf32, #tpu.memory_space<hbm>> -> memref<4x50x64xf32, #tpu.memory_space<hbm>>
    %dma_wait3A_57 = arith.constant 0 : i32
    %dma_wait3A_58 = arith.constant 0 : i32
    %dma_wait3A_59 = arith.constant 0 : i32
    %dma_wait3A_60 = tpu.memref_slice %arg4[%dma_wait3A_57, %dma_wait3A_58, %dma_wait3A_59] : memref<4096x50x64xf32, #tpu.memory_space<hbm>> -> memref<4x50x64xf32, #tpu.memory_space<hbm>>
    %dma_wait3A_61 = arith.constant 0 : i32
    %dma_wait3A_62 = arith.constant 0 : i32
    %dma_wait3A_63 = arith.constant 0 : i32
    %dma_wait3A_64 = tpu.memref_slice %arg7[%dma_wait3A_47, %dma_wait3A_61, %dma_wait3A_62, %dma_wait3A_63] : memref<2x4x50x64xf32, #tpu.memory_space<vmem>> -> memref<1x4x50x64xf32, #tpu.memory_space<vmem>>
    %dma_wait3A_65 = tpu.memref_squeeze %dma_wait3A_64 : memref<1x4x50x64xf32, #tpu.memory_space<vmem>> -> memref<4x50x64xf32, #tpu.memory_space<vmem>>
    tpu.wait_dma2 semaphore(%arg11 : memref<!tpu.dma_semaphore, #tpu.memory_space<semaphore_mem>>) src(%dma_wait3A_65 : memref<4x50x64xf32, #tpu.memory_space<vmem>>) dst(%dma_wait3A_60 : memref<4x50x64xf32, #tpu.memory_space<hbm>>)
    return
  }
}

</mosaic_0001>

<sc_bundles>
// kernel: kernel.3.cloned.1.call-start
scs
__scs_entry_jumppad:
0x0: {  	(pc) =	sbr.rel $0x88, $3  }
0x1: {  	(tag) =	ssettag $0x0;
	lr =	simm.s32 $0x1  }
0x2: {  	[smem:$0x3F9F] =	sst lr;
	_ =	strace $0xD0000000  }
0x3: {  	_ = 	snop  }
0x4: {  	_ = 	snop  }
0x5: {  	_ = 	snop  }
0x6: {  	_ = 	snop  }
0x7: {  	_ = 	snop  }
__scs_overlays_trampoline_lowered:
0x8: {  	[smem:$0x3FAE] =	sst s0  }
0x9: {  	[smem:$0x3FAF] =	sst s1  }
0xa: {  	[smem:$0x3FB0] =	sst s2  }
0xb: {  	[smem:$0x3FB1] =	sst s3  }
0xc: {  	[smem:$0x3FB2] =	sst s4  }
0xd: {  	[smem:$0x3FB3] =	sst s5  }
0xe: {  	[smem:$0x3FB4] =	sst s6  }
0xf: {  	[smem:$0x3FB5] =	sst s7  }
0x10: {  	[smem:$0x3FB6] =	sst s8  }
0x11: {  	[smem:$0x3FB7] =	sst s9;
	s0 =	simm.s32 @!p0 $0x0  }
0x12: {  	s1 =	sld [smem:$0x3F9D];
	s0 =	simm.s32 @p0 $0x1  }
0x13: {  	[smem:$0x3FB8] =	sst s0;
	s0 =	simm.s32 @!p1 $0x0  }
0x14: {  	s2 =	sld [smem:$0x3F9C];
	s0 =	simm.s32 @p1 $0x1  }
0x15: {  	[smem:$0x3FB9] =	sst s0;
	s0 =	simm.s32 @!p2 $0x0  }
0x16: {  	s3 =	sld [smem:$0x3FDB];
	s0 =	simm.s32 @p2 $0x1  }
0x17: {  	s4 =	simm.s32 $0x1BF5;
	[smem:$0x3FBB] =	sst s0  }
0x18: {  	s0 =	sld [smem:$0x3F9E];
	_ =	swait.ge [sflag:s4], $0x0  }
0x19: {  	s7 =	sld [smem:$0x3F9F]  }
0x1a: {  	s8 =	sadd.s32 $0xFFFFE003, lr  }
0x1b: {  	s9 =	sadd.s32 $0xFFFFFEF7, lr;
	s5 =	simm.s32 $0xFFFFFFFF;
	p2 =	slt.u32 s8, $0xFFFFF086  }
0x1c: {  	p1 =	slt.u32 s9, $0xF7A;
	s5 =	simm.s32 @!p2 $0x0  }
0x1d: {  	s5 =	simm.s32 @p1 $0x1;
	p0 =	seq.s32 s7, s2  }
0x1e: {  	s7 =	smul.u32 @!p0 $0xF7A, s2;
	p2 =	seq.s32 @!p0 s5, $0x0  }
0x1f: {  	s9 =	smul.u32 $0xF7A, s1;
	s8 =	simm.s32 @!p0 $0x1BF5;
	p2 =	por !p2, p0  }
0x20: {  	[sflag:s8] =	ssyncset.s32 @!p0 $0xFFFFF086;
	s6 =	sadd.s32 @!p0 s3, s7;
	s7 =	simm.s32 @!p0 $0x108  }
0x21: {  	s3 =	sadd.s32 s3, s9;
	s6 =	sadd.s32 @!p0 $0x88, s6;
	s7 =	simm.s32 @p2 $0x1082  }
0x22: {  	[simem:s7], [sflag:s8] =	dma.local @!p0 [hbm:s6], $0xF7A  }
0x23: {  	s9 =	sor.u32 $0xD0000000, s2;
	s6 =	simm.s32 $0x108;
	_ =	swait.ge @!p0 [sflag:s8], $0x0  }
0x24: {  	s3 =	sadd.s32 $0x88, s3;
	s6 =	simm.s32 @!p1 $0x1082;
	[sflag:s4] =	ssyncset.s32 $0xFFFFF086  }
0x25: {  	[simem:s6], [sflag:s4] =	dma.local [hbm:s3], $0xF7A  }
0x26: {  	[smem:$0x3F9F] =	sst s1;
	(tag) =	ssettag s2;
	_ =	strace s9  }
0x27: {  	s1 =	sld [smem:$0x3FAF]  }
0x28: {  	s2 =	sld [smem:$0x3FB0]  }
0x29: {  	s4 =	sld [smem:$0x3FB2]  }
0x2a: {  	p0 =	seq.s32 s5, $0x0;
	s5 =	sld [smem:$0x3FB3]  }
0x2b: {  	s6 =	sld [smem:$0x3FB4]  }
0x2c: {  	s7 =	sld [smem:$0x3FB5]  }
0x2d: {  	s3 =	simm.s32 $0x108;
	s8 =	sld [smem:$0x3FB6]  }
0x2e: {  	s3 =	simm.s32 @!p0 $0x1082;
	s9 =	sld [smem:$0x3FB7]  }
0x2f: {  	lr =	sadd.s32 s0, s3;
	s0 =	sld [smem:$0x3FAE]  }
0x30: {  	s3 =	sld [smem:$0x3FB1]  }
0x31: {  	[smem:$0x3FBA] =	sst s10  }
0x32: {  	s10 =	sld [smem:$0x3FB8];
	_ =	sdelay $0x3  }
0x33: {  	p0 =	seq.s32 s10, $0x1;
	s10 =	sld [smem:$0x3FBA];
	_ =	sdelay $0x3  }
0x34: {  	[smem:$0x3FBA] =	sst s10  }
0x35: {  	s10 =	sld [smem:$0x3FB9];
	_ =	sdelay $0x3  }
0x36: {  	p1 =	seq.s32 s10, $0x1;
	s10 =	sld [smem:$0x3FBA];
	_ =	sdelay $0x3  }
0x37: {  	[smem:$0x3FBA] =	sst s10  }
0x38: {  	s10 =	sld [smem:$0x3FBB]  }
0x39: {  	_ = 	snop;
	(pc) =	sbr.ind lr, $3  }
0x3a: {  	_ = 	snop  }
0x3b: {  	_ = 	snop  }
0x3c: {  	p2 =	seq.s32 s10, $0x1;
	s10 =	sld [smem:$0x3FBA]  }
0x3d: {  	_ =	shalt  }
0x3e: {  	_ =	shalt  }
0x3f: {  	_ =	shalt  }
0x40: {  	_ =	shalt  }
0x41: {  	_ =	shalt  }
0x42: {  	_ =	shalt  }
0x43: {  	_ =	shalt  }
0x44: {  	_ =	shalt  }
0x45: {  	_ =	shalt  }
0x46: {  	_ =	shalt  }
0x47: {  	_ =	shalt  }
0x48: {  	_ =	shalt  }
0x49: {  	_ =	shalt  }
0x4a: {  	_ =	shalt  }
0x4b: {  	_ =	shalt  }
0x4c: {  	_ =	shalt  }
0x4d: {  	_ =	shalt  }
0x4e: {  	_ =	shalt  }
0x4f: {  	_ =	shalt  }
0x50: {  	_ =	shalt  }
0x51: {  	_ =	shalt  }
0x52: {  	_ =	shalt  }
0x53: {  	_ =	shalt  }
0x54: {  	_ =	shalt  }
0x55: {  	_ =	shalt  }
0x56: {  	_ =	shalt  }
0x57: {  	_ =	shalt  }
0x58: {  	_ =	shalt  }
0x59: {  	_ =	shalt  }
0x5a: {  	_ =	shalt  }
0x5b: {  	_ =	shalt  }
0x5c: {  	_ =	shalt  }
0x5d: {  	_ =	shalt  }
0x5e: {  	_ =	shalt  }
0x5f: {  	_ =	shalt  }
0x60: {  	_ =	shalt  }
0x61: {  	_ =	shalt  }
0x62: {  	_ =	shalt  }
0x63: {  	_ =	shalt  }
0x64: {  	_ =	shalt  }
0x65: {  	_ =	shalt  }
0x66: {  	_ =	shalt  }
0x67: {  	_ =	shalt  }
0x68: {  	_ =	shalt  }
0x69: {  	_ =	shalt  }
0x6a: {  	_ =	shalt  }
0x6b: {  	_ =	shalt  }
0x6c: {  	_ =	shalt  }
0x6d: {  	_ =	shalt  }
0x6e: {  	_ =	shalt  }
0x6f: {  	_ =	shalt  }
0x70: {  	_ =	shalt  }
0x71: {  	_ =	shalt  }
0x72: {  	_ =	shalt  }
0x73: {  	_ =	shalt  }
0x74: {  	_ =	shalt  }
0x75: {  	_ =	shalt  }
0x76: {  	_ =	shalt  }
0x77: {  	_ =	shalt  }
0x78: {  	_ =	shalt  }
0x79: {  	_ =	shalt  }
0x7a: {  	_ =	shalt  }
0x7b: {  	_ =	shalt  }
0x7c: {  	_ =	shalt  }
0x7d: {  	_ =	shalt  }
0x7e: {  	_ =	shalt  }
0x7f: {  	_ =	shalt  }
0x80: {  	_ =	shalt  }
0x81: {  	_ =	shalt  }
0x82: {  	_ =	shalt  }
0x83: {  	_ =	shalt  }
0x84: {  	_ =	shalt  }
0x85: {  	_ =	shalt  }
0x86: {  	_ =	shalt  }
0x87: {  	_ =	shalt  }
.Lfunc_end0:
.L_simem_size_0:
called_computation.1_lowered:
.L_overlay_start_0:
0x88: {  	s2 =	sld [smem:$0x3FD9]  }
0x89: {  	s3 =	sld [smem:$0x3FFE];
	_ =	sdelay $0x1  }
0x8a: {  	s1 =	srdreg.scid  }
0x8b: {  	s0 =	sand.u32 $0x1, s1  }
0x8c: {  	s16 =	sshll.u32 s0, $0xA;
	s2 =	sadd.s32 s3, s2  }
0x8d: {  	s2 =	sadd.s32 s2, s16  }
0x8e: {  	[smem:$0x3FC6] =	sst s2  }
0x8f: {  	_ = 	snop  }
0x90: {  	(tm) =	ssettm $0x1  }
0x91: {  	s17 =	sld [smem:$0x3FFB];
	_ =	sdelay $0x3  }
0x92: {  	_ =	strace s17  }
0x93: {  	s2 =	sld [smem:$0x3FFC];
	_ =	sdelay $0x3  }
0x94: {  	_ =	strace s2  }
0x95: {  	s2 =	sld [smem:$0x3FFD];
	_ =	sdelay $0x3  }
0x96: {  	_ =	strace s2  }
0x97: {  	_ =	strace $0x8FFFFFFF  }
0x98: {  	s18 =	sld [smem:$0x3FDB];
	_ =	sdelay $0x1  }
0x99: {  	s19 =	simm.s32 $_scs_section_size  }
0x9a: {  	s4 =	simm.s32 $_size__tile_overlayer_lowered;
	s5 =	simm.s32 $_tile_overlayer_lowered  }
0x9b: {  	s22 =	simm.s32 $0x1BFF;
	s21 =	sshll.u32 s5, $0x1;
	s2 =	sadd.s32 s19, s18  }
0x9c: {  	s6 =	simm.s32 $0x0;
	s20 =	sshll.u32 s4, $0x1;
	s4 =	sadd.s32 s21, s2  }
0x9d: {  	[timem:s6], [sflag:s22] =	dma.local [hbm:s4], s20  }
0x9e: {  	_ =	swait.ge [sflag:s22], s20  }
0x9f: {  	s3 =	ssub.s32 $0x0, s20;
	[sflag:s22] =	ssyncset.done $0x0  }
0xa0: {  	[sflag:s22] =	ssyncadd.s32 s3;
	_ =	sdelay $0x1  }
0xa1: {  	s23 =	simm.s32 $0x1B8B  }
0xa2: {  	_ =	swait.ge [sflag:s23], $0x1  }
0xa3: {  	[sflag:s23] =	ssyncset.done $0x0  }
0xa4: {  	s25 =	simm.s32 $0x1B8E;
	s24 =	sld [smem:$0x3FFE];
	[sflag:s23] =	ssyncadd.s32 $0xFFFFFFFF  }
0xa5: {  	s26 =	simm.s32 $execute0_lowered;
	[smem:$0x3FD2] =	sst s25  }
0xa6: {  	s4 =	sshll.u32 s26, $0x1;
	_ =	strace $0x80000046;
	[dreg:$0x1] =	wrdreg $0xFFFFFFFF  }
0xa7: {  	s28 =	simm.s32 $_size_execute0_lowered;
	s2 =	sadd.s32 s2, s4;
	[dreg:$0x0] =	wrdreg $0x0  }
0xa8: {  	s4 =	sshll.u32 s28, $0x1;
	[dreg:$0x2] =	wrdreg s2  }
0xa9: {  	[dreg:$0x3] =	wrdreg s4  }
0xaa: {  	[dreg:$0x4] =	wrdreg $0xC0  }
0xab: {  	_ =	task [dreg:s6], $0x5FFFF  }
0xac: {  	[dreg:$0x1] =	wrdreg $0xFFFFFFFF  }
0xad: {  	[dreg:$0x0] =	wrdreg $0x60  }
0xae: {  	[dreg:$0x2] =	wrdreg s24  }
0xaf: {  	[dreg:$0x3] =	wrdreg $0x9  }
0xb0: {  	_ =	task.clear_ibuf [dreg:s6], $0x4FFFF;
	_ =	strace $0x90000046  }
0xb1: {  	s29 =	simm.s32 $0x9;
	_ =	strace $0x80000048  }
0xb2: {  	_ =	swait.ge [sflag:s29], $0x1  }
0xb3: {  	[sflag:s29] =	ssyncadd.s32 $0xFFFFFFFF  }
0xb4: {  	_ =	strace $0x90000048  }
0xb5: {  	_ =	sfence  }
0xb6: {  	s30 =	sld [smem:$0x0];
	_ =	sdelay $0x2  }
0xb7: {  	s31 =	sshll.u32 s1, $0xD;
	s1 =	sshrl.u32 s1, $0x2  }
0xb8: {  	s3 =	sand.u32 $0x4000, s31;
	s1 =	sadd.s32 s1, s30  }
0xb9: {  	s0 =	sor.u32 s3, s0;
	s1 =	sshll.u32 s1, $0x11  }
0xba: {  	s0 =	sor.u32 s1, s0  }
0xbb: {  	s0 =	sadd.s32 $0x8F2B, s0  }
0xbc: {  	[sflag:s0] =	ssyncadd.remote.s32 $0x1  }
0xbd: {  	_ =	sfence.sel $0xFFFF  }
0xbe: {  	[dreg:$0x0] =	wrdreg $0xFFFFFFFF;
	(pc) =	sbr.abs _section_cstart, $3  }
0xbf: {  	[dreg:$0x1] =	wrdreg $0xFFFFFFFF  }
0xc0: {  	_ =	task.clear_ibuf [dreg:s6], $0x2FFFF;
	_ =	strace $0x9FFFFFFF  }
0xc1: {  	(tm) =	ssettm $0x7FFFFFFF  }
tec
execute0_lowered:
.L_overlay_start_1:
0x0: {  	(tag) =	ssettag $0x1  }
0x1: {  	s0 =	srdreg.scid  }
0x2: {  	s2 =	stileid.u32;
	s1 =	rddreg [dreg:$0x0];
	s8 =	simm.s32 $0x5  }
0x3: {  	s9 =	simm.s32 $0x68;
	s11 =	simm.s32 $0x60;
	s13 =	simm.s32 $0x1  }
0x4: {  	s14 =	simm.s32 $0x7D00;
	s15 =	simm.s32 $0xB100;
	s16 =	simm.s32 $0xE100  }
0x5: {  	s17 =	simm.s32 $0xFD00;
	s18 =	simm.s32 $0x11900;
	s19 =	simm.s32 $0x13500  }
0x6: {  	s20 =	simm.s32 $0x2;
	s21 =	simm.s32 $0x15100;
	s22 =	simm.s32 $0x16D00  }
0x7: {  	s23 =	simm.s32 $0x18900;
	s24 =	simm.s32 $0x1A500;
	s25 =	simm.s32 $0x3  }
0x8: {  	s26 =	simm.s32 $0x4;
	s0 =	sand.u32 $0x1, s0;
	s3 =	sshll.u32 s2, $0x1  }
0x9: {  	s28 =	simm.s32 $0x0;
	s2 =	simm.s32 $0x0;
	s5 =	sor.u32 s0, s3  }
0xa: {  	[smem:$0x7FF] =	sst s2;
	s0 =	ssub.s32 $0x2, s0;
	s4 =	smul.u32 $0x320, s5  }
0xb: {  	s3 =	sadd.s32 $0x6C00, s1;
	_ =	strace $0x80000047;
	s31 =	sshrl.u32 s0, $0x1  }
0xc: {  	s5 =	sshll.u32 s5, $0x7;
	s0 =	ssub.s32 s0, s31;
	s6 =	sadd.s32 s4, s1  }
0xd: {  	s4 =	sadd.s32 $0x18D600, s1;
	s7 =	smax.u32 s0, $0x1;
	s6 =	sadd.s32 $0x800, s6  }
.LBB2_1:
0xe: {  	[tilespmem:s2], [sflag:$0x5] =	stream.linear.gather [hbm4b:s6+s2], $0x1900, $0x38;
	[tilespmem:$0x1C100] =	vst v63  }
0xf: {  	_ =	swait.ge [sflag:s8], $0x1900  }
0x10: {  	[sflag:s8] =	ssyncset.done $0x0  }
0x11: {  	s0 =	simm.s32 $0x1900;
	[sflag:s8] =	ssyncadd.s32 $0xFFFFE700  }
0x12: {  	[tilespmem:s0], [sflag:$0x1] =	stream.indirect.gather [hbm4b:s3+s9], $0x80, s2, s9, $0xb8;
	[tilespmem:$0x1C100] =	vst v63  }
0x13: {  	s31 =	simm.s32 $0x4D00;
	s29 =	simm.s32 $0x0  }
0x14: {  	[tilespmem:s31], [sflag:$0x1] =	stream.indirect.gather [hbm4b:s3+s11], $0x80, s9, s11, $0xb8;
	[tilespmem:$0x1C100] =	vst v63  }
.LBB2_2:
0x15: {  	_ =	swait.ge [sflag:s13], $0x3400  }
0x16: {  	[sflag:s13] =	ssyncset.done $0x0  }
0x17: {  	s30 =	sshllo.u32 s29, $0x1;
	[sflag:s13] =	ssyncadd.s32 $0xFFFFCC00  }
0x18: {  	s0 =	smul.u32 $0x320, s30;
	_ =	swait.ge [sflag:s13], $0x3000  }
0x19: {  	[sflag:s13] =	ssyncset.done $0x0  }
0x1a: {  	s0 =	sshra.s32 s0, $0x2;
	[sflag:s13] =	ssyncadd.s32 $0xFFFFD000  }
0x1b: {  	[tilespmem:s14], [sflag:$0x2] =	stream.indirect.gather [hbm4b:s3+s9], $0x80, s0, s9, $0xb8;
	[tilespmem:$0x1C100] =	vst v63  }
0x1c: {  	p0 =	seq.s32 s29, $0x0;
	s0 =	sadd.s32 $0x68, s0  }
0x1d: {  	[tilespmem:s15], [sflag:$0x2] =	stream.indirect.gather [hbm4b:s3+s11], $0x80, s0, s11, $0xb8;
	[tilespmem:$0x1C100] =	vst v63  }
0x1e: {  	s0 =	simm.s32 @!p0 $0x3  }
0x1f: {  	_ =	swait.ge @!p0 [sflag:s0], $0x6400  }
0x20: {  	[sflag:s0] =	ssyncset.done @!p0 $0x0  }
0x21: {  	s12 =	simm.s32 $0x1980;
	[sflag:s0] =	ssyncadd.s32 @!p0 $0xFFFF9C00  }
0x22: {  	v3 =	vld [tilespmem:s12+$0x30]  }
0x23: {  	v4 =	vld [tilespmem:s12+$0xFFFFFF90]  }
0x24: {  	v6 =	vld [tilespmem:s12+$0xFFFFFFA0]  }
0x25: {  	v2 =	vld [tilespmem:s12+$0xFFFFFFB0]  }
0x26: {  	v1 =	vld [tilespmem:s12+$0x0]  }
0x27: {  	v0 =	vld [tilespmem:s12+$0x10];
	v7 =	vmul.f32 $1.000000000e+01, v3  }
0x28: {  	s31 =	simm.s32 $0xE180;
	s10 =	simm.s32 $0x0;
	v3 =	vld [tilespmem:s12+$0x20];
	v5 =	vmul.f32 $1.000000000e+01, v4  }
0x29: {  	s1 =	simm.s32 $0xFDB0;
	s0 =	simm.s32 $0x32B0;
	v4 =	vld [tilespmem:s12+$0xFFFFFF80];
	v6 =	vmul.f32 $1.000000000e+01, v6;
	s12 =	simm.s32 $0x1A80;
	[tilespmem:s31+$0x30] =	vst v7  }
.LBB2_3:
0x2a: {  	v7 =	vld [tilespmem:s12+$0x30];
	s10 =	sadd.s32 $0x8, s10;
	[tilespmem:s31+$0xFFFFFF90] =	vst v5;
	v2 =	vmul.f32 $1.000000000e+01, v2  }
0x2b: {  	v5 =	vld [tilespmem:s12+$0xFFFFFF90];
	p0 =	slt.u32 s10, $0xC0;
	[tilespmem:s31+$0xFFFFFFA0] =	vst v6;
	v1 =	vmul.f32 $1.000000000e+01, v1  }
0x2c: {  	v6 =	vld [tilespmem:s12+$0xFFFFFFA0];
	[tilespmem:s31+$0xFFFFFFB0] =	vst v2;
	v0 =	vmul.f32 $1.000000000e+01, v0  }
.Ltmp0:
0x2d: {  	v2 =	vld [tilespmem:s12+$0xFFFFFFB0];
	[tilespmem:s31+$0x0] =	vst v1;
	v3 =	vmul.f32 $1.000000000e+01, v3;
	(pc) =	sbr.rel @p0 .LBB2_3-.Ltmp0, $4  }
0x2e: {  	v1 =	vld [tilespmem:s12+$0x0];
	v4 =	vmul.f32 $1.000000000e+01, v4;
	[tilespmem:s31+$0x10] =	vst v0  }
0x2f: {  	v0 =	vld [tilespmem:s12+$0x10];
	v7 =	vmul.f32 $1.000000000e+01, v7;
	[tilespmem:s31+$0x20] =	vst v3  }
0x30: {  	v5 =	vmul.f32 $1.000000000e+01, v5;
	v3 =	vld [tilespmem:s12+$0x20];
	[tilespmem:s31+$0xFFFFFF80] =	vst v4;
	s31 =	sadd.s32 $0x100, s31  }
0x31: {  	v4 =	vld [tilespmem:s12+$0xFFFFFF80];
	v6 =	vmul.f32 $1.000000000e+01, v6;
	[tilespmem:s31+$0x30] =	vst v7;
	s12 =	sadd.s32 $0x100, s12  }
0x32: {  	[tilespmem:s31+$0xFFFFFF90] =	vst v5;
	v2 =	vmul.f32 $1.000000000e+01, v2  }
0x33: {  	[tilespmem:s31+$0xFFFFFFA0] =	vst v6;
	v1 =	vmul.f32 $1.000000000e+01, v1  }
0x34: {  	[tilespmem:s31+$0xFFFFFFB0] =	vst v2;
	v0 =	vmul.f32 $1.000000000e+01, v0  }
0x35: {  	[tilespmem:s31+$0x0] =	vst v1;
	v1 =	vmul.f32 $1.000000000e+01, v3  }
0x36: {  	v2 =	vmul.f32 $1.000000000e+01, v4;
	[tilespmem:s31+$0x10] =	vst v0  }
0x37: {  	[tilespmem:s31+$0x20] =	vst v1  }
0x38: {  	[tilespmem:s31+$0xFFFFFF80] =	vst v2  }
0x39: {  	v2 =	vld [tilespmem:s0+$0x0]  }
0x3a: {  	v4 =	vld [tilespmem:s0+$0xFFFFFF60]  }
0x3b: {  	v6 =	vld [tilespmem:s0+$0xFFFFFF70]  }
0x3c: {  	v3 =	vld [tilespmem:s0+$0xFFFFFF80]  }
0x3d: {  	v1 =	vld [tilespmem:s0+$0xFFFFFFD0]  }
0x3e: {  	v0 =	vld [tilespmem:s0+$0xFFFFFFE0];
	v7 =	vmul.f32 $1.000000000e+01, v2  }
0x3f: {  	s10 =	simm.s32 $0x0;
	v2 =	vld [tilespmem:s0+$0xFFFFFFF0];
	v5 =	vmul.f32 $1.000000000e+01, v4  }
0x40: {  	s12 =	simm.s32 $0x33B0;
	s31 =	simm.s32 $0x119B0;
	v4 =	vld [tilespmem:s0+$0xFFFFFF50];
	v6 =	vmul.f32 $1.000000000e+01, v6;
	s0 =	simm.s32 $0x4BB0;
	[tilespmem:s1+$0x0] =	vst v7  }
.LBB2_5:
0x41: {  	v7 =	vld [tilespmem:s12+$0x0];
	s10 =	sadd.s32 $0x8, s10;
	[tilespmem:s1+$0xFFFFFF60] =	vst v5;
	v3 =	vmul.f32 $1.000000000e+01, v3  }
0x42: {  	v5 =	vld [tilespmem:s12+$0xFFFFFF60];
	p0 =	slt.u32 s10, $0xC0;
	[tilespmem:s1+$0xFFFFFF70] =	vst v6;
	v1 =	vmul.f32 $1.000000000e+01, v1  }
0x43: {  	v6 =	vld [tilespmem:s12+$0xFFFFFF70];
	[tilespmem:s1+$0xFFFFFF80] =	vst v3;
	v0 =	vmul.f32 $1.000000000e+01, v0  }
.Ltmp1:
0x44: {  	v3 =	vld [tilespmem:s12+$0xFFFFFF80];
	[tilespmem:s1+$0xFFFFFFD0] =	vst v1;
	v2 =	vmul.f32 $1.000000000e+01, v2;
	(pc) =	sbr.rel @p0 .LBB2_5-.Ltmp1, $4  }
0x45: {  	v1 =	vld [tilespmem:s12+$0xFFFFFFD0];
	v4 =	vmul.f32 $1.000000000e+01, v4;
	[tilespmem:s1+$0xFFFFFFE0] =	vst v0  }
0x46: {  	v0 =	vld [tilespmem:s12+$0xFFFFFFE0];
	v7 =	vmul.f32 $1.000000000e+01, v7;
	[tilespmem:s1+$0xFFFFFFF0] =	vst v2  }
0x47: {  	v5 =	vmul.f32 $1.000000000e+01, v5;
	v2 =	vld [tilespmem:s12+$0xFFFFFFF0];
	[tilespmem:s1+$0xFFFFFF50] =	vst v4;
	s1 =	sadd.s32 $0x100, s1  }
0x48: {  	v4 =	vld [tilespmem:s12+$0xFFFFFF50];
	v6 =	vmul.f32 $1.000000000e+01, v6;
	[tilespmem:s1+$0x0] =	vst v7;
	s12 =	sadd.s32 $0x100, s12  }
0x49: {  	[tilespmem:s1+$0xFFFFFF60] =	vst v5;
	v3 =	vmul.f32 $1.000000000e+01, v3  }
0x4a: {  	[tilespmem:s1+$0xFFFFFF70] =	vst v6;
	v1 =	vmul.f32 $1.000000000e+01, v1  }
0x4b: {  	[tilespmem:s1+$0xFFFFFF80] =	vst v3;
	v0 =	vmul.f32 $1.000000000e+01, v0  }
0x4c: {  	[tilespmem:s1+$0xFFFFFFD0] =	vst v1;
	v1 =	vmul.f32 $1.000000000e+01, v2  }
0x4d: {  	v2 =	vmul.f32 $1.000000000e+01, v4;
	[tilespmem:s1+$0xFFFFFFE0] =	vst v0  }
0x4e: {  	[tilespmem:s1+$0xFFFFFFF0] =	vst v1  }
0x4f: {  	[tilespmem:s1+$0xFFFFFF50] =	vst v2  }
0x50: {  	v2 =	vld [tilespmem:s0+$0x0]  }
0x51: {  	v4 =	vld [tilespmem:s0+$0xFFFFFF60]  }
0x52: {  	v6 =	vld [tilespmem:s0+$0xFFFFFF70]  }
0x53: {  	v3 =	vld [tilespmem:s0+$0xFFFFFF80]  }
0x54: {  	v1 =	vld [tilespmem:s0+$0xFFFFFFD0]  }
0x55: {  	v0 =	vld [tilespmem:s0+$0xFFFFFFE0];
	v7 =	vmul.f32 $1.000000000e+01, v2  }
0x56: {  	v2 =	vld [tilespmem:s0+$0xFFFFFFF0];
	v5 =	vmul.f32 $1.000000000e+01, v4  }
0x57: {  	s1 =	simm.s32 $0x0;
	v4 =	vld [tilespmem:s0+$0xFFFFFF50];
	v6 =	vmul.f32 $1.000000000e+01, v6;
	s0 =	simm.s32 $0x4CB0;
	[tilespmem:s31+$0x0] =	vst v7  }
.LBB2_7:
0x58: {  	v7 =	vld [tilespmem:s0+$0x0];
	s1 =	sadd.s32 $0x8, s1;
	[tilespmem:s31+$0xFFFFFF60] =	vst v5;
	v3 =	vmul.f32 $1.000000000e+01, v3  }
0x59: {  	v5 =	vld [tilespmem:s0+$0xFFFFFF60];
	p0 =	slt.u32 s1, $0xC0;
	[tilespmem:s31+$0xFFFFFF70] =	vst v6;
	v1 =	vmul.f32 $1.000000000e+01, v1  }
0x5a: {  	v6 =	vld [tilespmem:s0+$0xFFFFFF70];
	[tilespmem:s31+$0xFFFFFF80] =	vst v3;
	v0 =	vmul.f32 $1.000000000e+01, v0  }
.Ltmp2:
0x5b: {  	v3 =	vld [tilespmem:s0+$0xFFFFFF80];
	[tilespmem:s31+$0xFFFFFFD0] =	vst v1;
	v2 =	vmul.f32 $1.000000000e+01, v2;
	(pc) =	sbr.rel @p0 .LBB2_7-.Ltmp2, $4  }
0x5c: {  	v1 =	vld [tilespmem:s0+$0xFFFFFFD0];
	v4 =	vmul.f32 $1.000000000e+01, v4;
	[tilespmem:s31+$0xFFFFFFE0] =	vst v0  }
0x5d: {  	v0 =	vld [tilespmem:s0+$0xFFFFFFE0];
	v7 =	vmul.f32 $1.000000000e+01, v7;
	[tilespmem:s31+$0xFFFFFFF0] =	vst v2  }
0x5e: {  	v5 =	vmul.f32 $1.000000000e+01, v5;
	v2 =	vld [tilespmem:s0+$0xFFFFFFF0];
	[tilespmem:s31+$0xFFFFFF50] =	vst v4;
	s31 =	sadd.s32 $0x100, s31  }
0x5f: {  	v4 =	vld [tilespmem:s0+$0xFFFFFF50];
	v6 =	vmul.f32 $1.000000000e+01, v6;
	[tilespmem:s31+$0x0] =	vst v7;
	s0 =	sadd.s32 $0x100, s0  }
0x60: {  	[tilespmem:s31+$0xFFFFFF60] =	vst v5;
	v3 =	vmul.f32 $1.000000000e+01, v3  }
0x61: {  	[tilespmem:s31+$0xFFFFFF70] =	vst v6;
	v1 =	vmul.f32 $1.000000000e+01, v1  }
0x62: {  	[tilespmem:s31+$0xFFFFFF80] =	vst v3;
	v0 =	vmul.f32 $1.000000000e+01, v0  }
0x63: {  	[tilespmem:s31+$0xFFFFFFD0] =	vst v1;
	v1 =	vmul.f32 $1.000000000e+01, v2  }
0x64: {  	v2 =	vmul.f32 $1.000000000e+01, v4;
	[tilespmem:s31+$0xFFFFFFE0] =	vst v0  }
0x65: {  	[tilespmem:s31+$0xFFFFFFF0] =	vst v1  }
0x66: {  	s1 =	simm.s32 $0x0;
	[tilespmem:s31+$0xFFFFFF50] =	vst v2  }
0x67: {  	v3 =	vld [tilespmem:s1+$0x64B0]  }
0x68: {  	v5 =	vld [tilespmem:s1+$0x6400]  }
0x69: {  	v4 =	vld [tilespmem:s1+$0x6410]  }
0x6a: {  	v2 =	vld [tilespmem:s1+$0x6420]  }
0x6b: {  	v1 =	vld [tilespmem:s1+$0x6430]  }
0x6c: {  	v0 =	vld [tilespmem:s1+$0x6480];
	v6 =	vmul.f32 $1.000000000e+01, v3  }
0x6d: {  	s0 =	simm.s32 $0x0;
	s10 =	simm.s32 $0x400;
	v5 =	vmul.f32 $1.000000000e+01, v5;
	v3 =	vld [tilespmem:s1+$0x6490]  }
.LBB2_9:
0x6e: {  	s12 =	sshra.s32 s10, $0x2;
	s0 =	sadd.s32 $0x8, s0;
	v4 =	vmul.f32 $1.000000000e+01, v4;
	v7 =	vld [tilespmem:s1+$0x64A0];
	[tilespmem:s1+$0x135B0] =	vst v6  }
0x6f: {  	v6 =	vld [tilespmem:s12+$0x64B0];
	p0 =	slt.u32 s0, $0xC0;
	[tilespmem:s1+$0x13500] =	vst v5;
	v2 =	vmul.f32 $1.000000000e+01, v2  }
0x70: {  	v5 =	vld [tilespmem:s12+$0x6400];
	[tilespmem:s1+$0x13510] =	vst v4;
	v1 =	vmul.f32 $1.000000000e+01, v1  }
.Ltmp3:
0x71: {  	v4 =	vld [tilespmem:s12+$0x6410];
	[tilespmem:s1+$0x13520] =	vst v2;
	v0 =	vmul.f32 $1.000000000e+01, v0;
	(pc) =	sbr.rel @p0 .LBB2_9-.Ltmp3, $4  }
0x72: {  	v2 =	vld [tilespmem:s12+$0x6420];
	[tilespmem:s1+$0x13530] =	vst v1;
	v3 =	vmul.f32 $1.000000000e+01, v3  }
0x73: {  	v1 =	vld [tilespmem:s12+$0x6430];
	[tilespmem:s1+$0x13580] =	vst v0;
	v7 =	vmul.f32 $1.000000000e+01, v7  }
0x74: {  	v0 =	vld [tilespmem:s12+$0x6480];
	v6 =	vmul.f32 $1.000000000e+01, v6;
	[tilespmem:s1+$0x13590] =	vst v3  }
0x75: {  	s10 =	sadd.s32 $0x400, s10;
	v5 =	vmul.f32 $1.000000000e+01, v5;
	v3 =	vld [tilespmem:s12+$0x6490];
	[tilespmem:s1+$0x135A0] =	vst v7;
	s1 =	smov.u32 s12  }
0x76: {  	v4 =	vmul.f32 $1.000000000e+01, v4;
	v7 =	vld [tilespmem:s1+$0x64A0];
	[tilespmem:s1+$0x135B0] =	vst v6  }
0x77: {  	[tilespmem:s1+$0x13500] =	vst v5;
	v2 =	vmul.f32 $1.000000000e+01, v2  }
0x78: {  	[tilespmem:s1+$0x13510] =	vst v4;
	v1 =	vmul.f32 $1.000000000e+01, v1  }
0x79: {  	s0 =	sshll.u32 s29, $0x3;
	[tilespmem:s1+$0x13520] =	vst v2;
	v0 =	vmul.f32 $1.000000000e+01, v0  }
0x7a: {  	s0 =	sadd.s32 s5, s0;
	[tilespmem:s1+$0x13530] =	vst v1;
	v1 =	vmul.f32 $1.000000000e+01, v3  }
0x7b: {  	s0 =	smul.u32 $0x380, s0;
	[tilespmem:s1+$0x13580] =	vst v0;
	v0 =	vmul.f32 $1.000000000e+01, v7  }
0x7c: {  	[tilespmem:s1+$0x13590] =	vst v1  }
0x7d: {  	s0 =	sadd.s32 s4, s0;
	[tilespmem:s1+$0x135A0] =	vst v0  }
0x7e: {  	[hbm4b:s0+s2] =	stream.linear.scatter [tilespmem:s16], [sflag:$0x3], $0x1900, $0x38;
	[tilespmem:$0x1C100] =	vst v63  }
0x7f: {  	s10 =	sadd.s32 $0x380, s0  }
0x80: {  	[hbm4b:s10+s2] =	stream.linear.scatter [tilespmem:s17], [sflag:$0x3], $0x1900, $0x38;
	[tilespmem:$0x1C100] =	vst v63  }
0x81: {  	s12 =	sadd.s32 $0x700, s0  }
0x82: {  	[hbm4b:s12+s2] =	stream.linear.scatter [tilespmem:s18], [sflag:$0x3], $0x1900, $0x38;
	[tilespmem:$0x1C100] =	vst v63  }
0x83: {  	s0 =	sadd.s32 $0xA80, s0  }
0x84: {  	[hbm4b:s0+s2] =	stream.linear.scatter [tilespmem:s19], [sflag:$0x3], $0x1900, $0x38;
	[tilespmem:$0x1C100] =	vst v63  }
0x85: {  	_ =	swait.ge [sflag:s20], $0x3400  }
0x86: {  	p0 =	seq.s32 s29, $0xF;
	[sflag:s20] =	ssyncset.done $0x0  }
0x87: {  	s0 =	smul.u32 @!p0 $0x640, s29;
	[sflag:s20] =	ssyncadd.s32 $0xFFFFCC00  }
0x88: {  	p1 =	seq.s32 @!p0 s29, $0x0;
	_ =	swait.ge [sflag:s20], $0x3000  }
0x89: {  	s10 =	simm.s32 @!p0 $0x68;
	s0 =	sshra.s32 @!p0 s0, $0x2;
	[sflag:s20] =	ssyncset.done $0x0  }
0x8a: {  	s12 =	simm.s32 @!p0 $0x1900;
	s1 =	sadd.s32 @!p0 $0x190, s0;
	[sflag:s20] =	ssyncadd.s32 $0xFFFFD000  }
0x8b: {  	[tilespmem:s12], [sflag:$0x1] =	stream.indirect.gather @!p0 [hbm4b:s3+s10], $0x80, s1, s10, $0xb8;
	[tilespmem:$0x1C100] =	vst v63  }
0x8c: {  	s0 =	sadd.s32 @!p0 $0x1F8, s0;
	s1 =	simm.s32 @!p0 $0x60;
	s10 =	simm.s32 @!p0 $0x4D00  }
0x8d: {  	[tilespmem:s10], [sflag:$0x1] =	stream.indirect.gather @!p0 [hbm4b:s3+s1], $0x80, s0, s1, $0xb8;
	[tilespmem:$0x1C100] =	vst v63  }
0x8e: {  	p0 =	por p0, !p1  }
0x8f: {  	_ =	swait.ge @p0 [sflag:s26], $0x6400  }
0x90: {  	[sflag:s26] =	ssyncset.done @p0 $0x0  }
0x91: {  	s31 =	simm.s32 $0x0;
	[sflag:s26] =	ssyncadd.s32 @p0 $0xFFFF9C00  }
0x92: {  	v3 =	vld [tilespmem:s31+$0x7DB0]  }
0x93: {  	v5 =	vld [tilespmem:s31+$0x7D00]  }
0x94: {  	v4 =	vld [tilespmem:s31+$0x7D10]  }
0x95: {  	v2 =	vld [tilespmem:s31+$0x7D20]  }
0x96: {  	v1 =	vld [tilespmem:s31+$0x7D30]  }
0x97: {  	v0 =	vld [tilespmem:s31+$0x7D80];
	v6 =	vmul.f32 $1.000000000e+01, v3  }
0x98: {  	s1 =	simm.s32 $0x0;
	s10 =	simm.s32 $0x400;
	s0 =	simm.s32 $0x0;
	v5 =	vmul.f32 $1.000000000e+01, v5;
	v3 =	vld [tilespmem:s31+$0x7D90]  }
.LBB2_11:
0x99: {  	s12 =	sshra.s32 s10, $0x2;
	s1 =	sadd.s32 $0x8, s1;
	v4 =	vmul.f32 $1.000000000e+01, v4;
	v7 =	vld [tilespmem:s0+$0x7DA0];
	[tilespmem:s0+$0x151B0] =	vst v6  }
0x9a: {  	v6 =	vld [tilespmem:s12+$0x7DB0];
	p0 =	slt.u32 s1, $0xC0;
	[tilespmem:s0+$0x15100] =	vst v5;
	v2 =	vmul.f32 $1.000000000e+01, v2  }
0x9b: {  	v5 =	vld [tilespmem:s12+$0x7D00];
	[tilespmem:s0+$0x15110] =	vst v4;
	v1 =	vmul.f32 $1.000000000e+01, v1  }
.Ltmp4:
0x9c: {  	v4 =	vld [tilespmem:s12+$0x7D10];
	[tilespmem:s0+$0x15120] =	vst v2;
	v0 =	vmul.f32 $1.000000000e+01, v0;
	(pc) =	sbr.rel @p0 .LBB2_11-.Ltmp4, $4  }
0x9d: {  	v2 =	vld [tilespmem:s12+$0x7D20];
	[tilespmem:s0+$0x15130] =	vst v1;
	v3 =	vmul.f32 $1.000000000e+01, v3  }
0x9e: {  	v1 =	vld [tilespmem:s12+$0x7D30];
	[tilespmem:s0+$0x15180] =	vst v0;
	v7 =	vmul.f32 $1.000000000e+01, v7  }
0x9f: {  	v0 =	vld [tilespmem:s12+$0x7D80];
	v6 =	vmul.f32 $1.000000000e+01, v6;
	[tilespmem:s0+$0x15190] =	vst v3  }
0xa0: {  	s10 =	sadd.s32 $0x400, s10;
	v5 =	vmul.f32 $1.000000000e+01, v5;
	v3 =	vld [tilespmem:s12+$0x7D90];
	[tilespmem:s0+$0x151A0] =	vst v7;
	s0 =	smov.u32 s12  }
0xa1: {  	v4 =	vmul.f32 $1.000000000e+01, v4;
	v7 =	vld [tilespmem:s0+$0x7DA0];
	[tilespmem:s0+$0x151B0] =	vst v6  }
0xa2: {  	[tilespmem:s0+$0x15100] =	vst v5;
	v2 =	vmul.f32 $1.000000000e+01, v2  }
0xa3: {  	[tilespmem:s0+$0x15110] =	vst v4;
	v1 =	vmul.f32 $1.000000000e+01, v1  }
0xa4: {  	[tilespmem:s0+$0x15120] =	vst v2;
	v0 =	vmul.f32 $1.000000000e+01, v0  }
0xa5: {  	[tilespmem:s0+$0x15130] =	vst v1;
	v1 =	vmul.f32 $1.000000000e+01, v3  }
0xa6: {  	[tilespmem:s0+$0x15180] =	vst v0;
	v0 =	vmul.f32 $1.000000000e+01, v7  }
0xa7: {  	[tilespmem:s0+$0x15190] =	vst v1  }
0xa8: {  	[tilespmem:s0+$0x151A0] =	vst v0  }
0xa9: {  	v3 =	vld [tilespmem:s31+$0x96B0]  }
0xaa: {  	v5 =	vld [tilespmem:s31+$0x9600]  }
0xab: {  	v4 =	vld [tilespmem:s31+$0x9610]  }
0xac: {  	v2 =	vld [tilespmem:s31+$0x9620]  }
0xad: {  	v1 =	vld [tilespmem:s31+$0x9630]  }
0xae: {  	v0 =	vld [tilespmem:s31+$0x9680];
	v6 =	vmul.f32 $1.000000000e+01, v3  }
0xaf: {  	s1 =	simm.s32 $0x400;
	s0 =	simm.s32 $0x0;
	v5 =	vmul.f32 $1.000000000e+01, v5;
	v3 =	vld [tilespmem:s31+$0x9690]  }
.LBB2_13:
0xb0: {  	s10 =	sshra.s32 s1, $0x2;
	s0 =	sadd.s32 $0x8, s0;
	v4 =	vmul.f32 $1.000000000e+01, v4;
	v7 =	vld [tilespmem:s31+$0x96A0];
	[tilespmem:s31+$0x16DB0] =	vst v6  }
0xb1: {  	v6 =	vld [tilespmem:s10+$0x96B0];
	p0 =	slt.u32 s0, $0xC0;
	[tilespmem:s31+$0x16D00] =	vst v5;
	v2 =	vmul.f32 $1.000000000e+01, v2  }
0xb2: {  	v5 =	vld [tilespmem:s10+$0x9600];
	[tilespmem:s31+$0x16D10] =	vst v4;
	v1 =	vmul.f32 $1.000000000e+01, v1  }
.Ltmp5:
0xb3: {  	v4 =	vld [tilespmem:s10+$0x9610];
	[tilespmem:s31+$0x16D20] =	vst v2;
	v0 =	vmul.f32 $1.000000000e+01, v0;
	(pc) =	sbr.rel @p0 .LBB2_13-.Ltmp5, $4  }
0xb4: {  	v2 =	vld [tilespmem:s10+$0x9620];
	[tilespmem:s31+$0x16D30] =	vst v1;
	v3 =	vmul.f32 $1.000000000e+01, v3  }
0xb5: {  	v1 =	vld [tilespmem:s10+$0x9630];
	[tilespmem:s31+$0x16D80] =	vst v0;
	v7 =	vmul.f32 $1.000000000e+01, v7  }
0xb6: {  	v0 =	vld [tilespmem:s10+$0x9680];
	v6 =	vmul.f32 $1.000000000e+01, v6;
	[tilespmem:s31+$0x16D90] =	vst v3  }
0xb7: {  	s1 =	sadd.s32 $0x400, s1;
	v5 =	vmul.f32 $1.000000000e+01, v5;
	v3 =	vld [tilespmem:s10+$0x9690];
	[tilespmem:s31+$0x16DA0] =	vst v7;
	s31 =	smov.u32 s10  }
0xb8: {  	v4 =	vmul.f32 $1.000000000e+01, v4;
	v7 =	vld [tilespmem:s31+$0x96A0];
	[tilespmem:s31+$0x16DB0] =	vst v6  }
0xb9: {  	[tilespmem:s31+$0x16D00] =	vst v5;
	v2 =	vmul.f32 $1.000000000e+01, v2  }
0xba: {  	[tilespmem:s31+$0x16D10] =	vst v4;
	v1 =	vmul.f32 $1.000000000e+01, v1  }
0xbb: {  	[tilespmem:s31+$0x16D20] =	vst v2;
	v0 =	vmul.f32 $1.000000000e+01, v0  }
0xbc: {  	[tilespmem:s31+$0x16D30] =	vst v1;
	v1 =	vmul.f32 $1.000000000e+01, v3  }
0xbd: {  	[tilespmem:s31+$0x16D80] =	vst v0;
	v0 =	vmul.f32 $1.000000000e+01, v7  }
0xbe: {  	[tilespmem:s31+$0x16D90] =	vst v1  }
0xbf: {  	[tilespmem:s31+$0x16DA0] =	vst v0;
	s31 =	simm.s32 $0x0  }
0xc0: {  	v3 =	vld [tilespmem:s31+$0xAFB0]  }
0xc1: {  	v5 =	vld [tilespmem:s31+$0xAF00]  }
0xc2: {  	v4 =	vld [tilespmem:s31+$0xAF10]  }
0xc3: {  	v2 =	vld [tilespmem:s31+$0xAF20]  }
0xc4: {  	v1 =	vld [tilespmem:s31+$0xAF30]  }
0xc5: {  	v0 =	vld [tilespmem:s31+$0xAF80];
	v6 =	vmul.f32 $1.000000000e+01, v3  }
0xc6: {  	s1 =	simm.s32 $0x0;
	s10 =	simm.s32 $0x400;
	s0 =	simm.s32 $0x0;
	v5 =	vmul.f32 $1.000000000e+01, v5;
	v3 =	vld [tilespmem:s31+$0xAF90]  }
.LBB2_15:
0xc7: {  	s12 =	sshra.s32 s10, $0x2;
	s1 =	sadd.s32 $0x8, s1;
	v4 =	vmul.f32 $1.000000000e+01, v4;
	v7 =	vld [tilespmem:s0+$0xAFA0];
	[tilespmem:s0+$0x189B0] =	vst v6  }
0xc8: {  	v6 =	vld [tilespmem:s12+$0xAFB0];
	p0 =	slt.u32 s1, $0xC0;
	[tilespmem:s0+$0x18900] =	vst v5;
	v2 =	vmul.f32 $1.000000000e+01, v2  }
0xc9: {  	v5 =	vld [tilespmem:s12+$0xAF00];
	[tilespmem:s0+$0x18910] =	vst v4;
	v1 =	vmul.f32 $1.000000000e+01, v1  }
.Ltmp6:
0xca: {  	v4 =	vld [tilespmem:s12+$0xAF10];
	[tilespmem:s0+$0x18920] =	vst v2;
	v0 =	vmul.f32 $1.000000000e+01, v0;
	(pc) =	sbr.rel @p0 .LBB2_15-.Ltmp6, $4  }
0xcb: {  	v2 =	vld [tilespmem:s12+$0xAF20];
	[tilespmem:s0+$0x18930] =	vst v1;
	v3 =	vmul.f32 $1.000000000e+01, v3  }
0xcc: {  	v1 =	vld [tilespmem:s12+$0xAF30];
	[tilespmem:s0+$0x18980] =	vst v0;
	v7 =	vmul.f32 $1.000000000e+01, v7  }
0xcd: {  	v0 =	vld [tilespmem:s12+$0xAF80];
	v6 =	vmul.f32 $1.000000000e+01, v6;
	[tilespmem:s0+$0x18990] =	vst v3  }
0xce: {  	s10 =	sadd.s32 $0x400, s10;
	v5 =	vmul.f32 $1.000000000e+01, v5;
	v3 =	vld [tilespmem:s12+$0xAF90];
	[tilespmem:s0+$0x189A0] =	vst v7;
	s0 =	smov.u32 s12  }
0xcf: {  	v4 =	vmul.f32 $1.000000000e+01, v4;
	v7 =	vld [tilespmem:s0+$0xAFA0];
	[tilespmem:s0+$0x189B0] =	vst v6  }
0xd0: {  	[tilespmem:s0+$0x18900] =	vst v5;
	v2 =	vmul.f32 $1.000000000e+01, v2  }
0xd1: {  	[tilespmem:s0+$0x18910] =	vst v4;
	v1 =	vmul.f32 $1.000000000e+01, v1  }
0xd2: {  	[tilespmem:s0+$0x18920] =	vst v2;
	v0 =	vmul.f32 $1.000000000e+01, v0  }
0xd3: {  	[tilespmem:s0+$0x18930] =	vst v1;
	v1 =	vmul.f32 $1.000000000e+01, v3  }
0xd4: {  	[tilespmem:s0+$0x18980] =	vst v0;
	v0 =	vmul.f32 $1.000000000e+01, v7  }
0xd5: {  	[tilespmem:s0+$0x18990] =	vst v1  }
0xd6: {  	[tilespmem:s0+$0x189A0] =	vst v0  }
0xd7: {  	v3 =	vld [tilespmem:s31+$0xC8B0]  }
0xd8: {  	v5 =	vld [tilespmem:s31+$0xC800]  }
0xd9: {  	v4 =	vld [tilespmem:s31+$0xC810]  }
0xda: {  	v2 =	vld [tilespmem:s31+$0xC820]  }
0xdb: {  	v1 =	vld [tilespmem:s31+$0xC830]  }
0xdc: {  	v0 =	vld [tilespmem:s31+$0xC880];
	v6 =	vmul.f32 $1.000000000e+01, v3  }
0xdd: {  	s1 =	simm.s32 $0x400;
	s0 =	simm.s32 $0x0;
	v5 =	vmul.f32 $1.000000000e+01, v5;
	v3 =	vld [tilespmem:s31+$0xC890]  }
.LBB2_17:
0xde: {  	s10 =	sshra.s32 s1, $0x2;
	s0 =	sadd.s32 $0x8, s0;
	v4 =	vmul.f32 $1.000000000e+01, v4;
	v7 =	vld [tilespmem:s31+$0xC8A0];
	[tilespmem:s31+$0x1A5B0] =	vst v6  }
0xdf: {  	v6 =	vld [tilespmem:s10+$0xC8B0];
	p0 =	slt.u32 s0, $0xC0;
	[tilespmem:s31+$0x1A500] =	vst v5;
	v2 =	vmul.f32 $1.000000000e+01, v2  }
0xe0: {  	v5 =	vld [tilespmem:s10+$0xC800];
	[tilespmem:s31+$0x1A510] =	vst v4;
	v1 =	vmul.f32 $1.000000000e+01, v1  }
.Ltmp7:
0xe1: {  	v4 =	vld [tilespmem:s10+$0xC810];
	[tilespmem:s31+$0x1A520] =	vst v2;
	v0 =	vmul.f32 $1.000000000e+01, v0;
	(pc) =	sbr.rel @p0 .LBB2_17-.Ltmp7, $4  }
0xe2: {  	v2 =	vld [tilespmem:s10+$0xC820];
	[tilespmem:s31+$0x1A530] =	vst v1;
	v3 =	vmul.f32 $1.000000000e+01, v3  }
0xe3: {  	v1 =	vld [tilespmem:s10+$0xC830];
	[tilespmem:s31+$0x1A580] =	vst v0;
	v7 =	vmul.f32 $1.000000000e+01, v7  }
0xe4: {  	v0 =	vld [tilespmem:s10+$0xC880];
	v6 =	vmul.f32 $1.000000000e+01, v6;
	[tilespmem:s31+$0x1A590] =	vst v3  }
0xe5: {  	s1 =	sadd.s32 $0x400, s1;
	v5 =	vmul.f32 $1.000000000e+01, v5;
	v3 =	vld [tilespmem:s10+$0xC890];
	[tilespmem:s31+$0x1A5A0] =	vst v7;
	s31 =	smov.u32 s10  }
0xe6: {  	v4 =	vmul.f32 $1.000000000e+01, v4;
	v7 =	vld [tilespmem:s31+$0xC8A0];
	[tilespmem:s31+$0x1A5B0] =	vst v6  }
0xe7: {  	[tilespmem:s31+$0x1A500] =	vst v5;
	v2 =	vmul.f32 $1.000000000e+01, v2  }
0xe8: {  	[tilespmem:s31+$0x1A510] =	vst v4;
	v1 =	vmul.f32 $1.000000000e+01, v1  }
0xe9: {  	s0 =	sshll.u32 s30, $0x2;
	[tilespmem:s31+$0x1A520] =	vst v2;
	v0 =	vmul.f32 $1.000000000e+01, v0  }
0xea: {  	s0 =	sadd.s32 s5, s0;
	[tilespmem:s31+$0x1A530] =	vst v1;
	v62 =	vmul.f32 $1.000000000e+01, v3  }
0xeb: {  	s0 =	smul.u32 $0x380, s0;
	[tilespmem:s31+$0x1A580] =	vst v0;
	v63 =	vmul.f32 $1.000000000e+01, v7  }
0xec: {  	[tilespmem:s31+$0x1A590] =	vst v62  }
0xed: {  	s29 =	sadd.s32 $0x1, s29;
	s0 =	sadd.s32 s4, s0;
	[tilespmem:s31+$0x1A5A0] =	vst v63  }
0xee: {  	[hbm4b:s0+s2] =	stream.linear.scatter [tilespmem:s21], [sflag:$0x4], $0x1900, $0x38;
	[tilespmem:$0x1C100] =	vst v63  }
0xef: {  	p0 =	sne.s32 s29, $0x10;
	s1 =	sadd.s32 $0x380, s0  }
0xf0: {  	[hbm4b:s1+s2] =	stream.linear.scatter [tilespmem:s22], [sflag:$0x4], $0x1900, $0x38;
	[tilespmem:$0x1C100] =	vst v63  }
.Ltmp8:
0xf1: {  	_ = 	snop;
	(pc) =	sbr.rel @p0 .LBB2_2-.Ltmp8, $4  }
0xf2: {  	s31 =	sadd.s32 $0x700, s0  }
0xf3: {  	[hbm4b:s31+s2] =	stream.linear.scatter [tilespmem:s23], [sflag:$0x4], $0x1900, $0x38;
	[tilespmem:$0x1C100] =	vst v63  }
0xf4: {  	s0 =	sadd.s32 $0xA80, s0  }
0xf5: {  	[hbm4b:s0+s2] =	stream.linear.scatter [tilespmem:s24], [sflag:$0x4], $0x1900, $0x38;
	[tilespmem:$0x1C100] =	vst v63  }
0xf6: {  	s28 =	sadd.s32 $0x1, s28  }
0xf7: {  	_ =	swait.ge [sflag:s25], $0x6400;
	p0 =	sne.s32 s28, s7  }
.Ltmp9:
0xf8: {  	[sflag:s25] =	ssyncset.done $0x0;
	(pc) =	sbr.rel @p0 .LBB2_1-.Ltmp9, $4  }
0xf9: {  	[sflag:s25] =	ssyncadd.s32 $0xFFFF9C00  }
0xfa: {  	_ =	swait.ge [sflag:s26], $0x6400  }
0xfb: {  	[sflag:s26] =	ssyncset.done $0x0  }
0xfc: {  	[sflag:s26] =	ssyncadd.s32 $0xFFFF9C00  }
0xfd: {  	_ =	sfence.sel $0x180000  }
0xfe: {  	[bflag:$0x0] =	sbarrier.arrive $0xFFFF  }
0xff: {  	_ =	strace $0x90000047  }
0x100: {  	s0 =	stileid.u32;
	[bflag:$0x2] =	sbarrier.arrive $0xFFFF  }
0x101: {  	p0 =	sne.s32 s0, $0x0;
	s0 =	rddreg [dreg:$0x1]  }
0x102: {  	s0 =	sadd.s32 @!p0 $0x100000, s0  }
0x103: {  	[sflag:s0] =	ssyncadd.tile.s32 @!p0 $0x1;
	_ =	shalt  }
.Lfunc_end2:
_tile_overlayer_lowered:
.L_overlay_start_2:
0x104: {  	(tag) =	ssettag $0x2  }
0x105: {  	s0 =	rddreg [dreg:$0x0];
	s2 =	stileid.u32  }
0x106: {  	s1 =	rddreg [dreg:$0x1];
	p0 =	sne.s32 s2, $0x0  }
0x107: {  	s3 =	rddreg [dreg:$0x2];
	[bflag:$0x3] =	sbarrier.arrive $0xFFFF;
	s2 =	simm.s32 @!p0 $0x1C05  }
0x108: {  	[timem:s3], [sflag:s2] =	dma.local @!p0 [hbm:s0], s1  }
0x109: {  	s0 =	simm.s32 @!p0 $0x5  }
0x10a: {  	_ =	swait.ge @!p0 [sflag:s0], s1  }
0x10b: {  	s1 =	ssub.s32 @!p0 $0x0, s1;
	[sflag:s0] =	ssyncset.done @!p0 $0x0  }
0x10c: {  	[sflag:s0] =	ssyncadd.s32 @!p0 s1  }
0x10d: {  	[bflag:$0x3] =	sbarrier.arrive $0xFFFF  }
0x10e: {  	_ =	shalt  }

// kernel: sparse-core-data-format-call.cloned.1.call-start
scs
called_computation_lowered:
.L_overlay_start_0:
0x0: {  	s2 =	sld [smem:$0x3FD9]  }
0x1: {  	s3 =	sld [smem:$0x3FFE];
	_ =	sdelay $0x1  }
0x2: {  	s1 =	srdreg.scid  }
0x3: {  	s0 =	sand.u32 $0x1, s1  }
0x4: {  	s18 =	sshll.u32 s0, $0xA;
	s2 =	sadd.s32 s3, s2  }
0x5: {  	s2 =	sadd.s32 s2, s18  }
0x6: {  	[smem:$0x3FC6] =	sst s2  }
0x7: {  	_ = 	snop  }
0x8: {  	s2 =	sld [smem:$0x3FD0];
	(tm) =	ssettm $0x1  }
0x9: {  	s19 =	sld [smem:$0x3FFB];
	_ =	sdelay $0x3  }
0xa: {  	_ =	strace s19  }
0xb: {  	s3 =	sld [smem:$0x3FFC];
	_ =	sdelay $0x3  }
0xc: {  	_ =	strace s3  }
0xd: {  	s3 =	sld [smem:$0x3FFD];
	_ =	sdelay $0x3  }
0xe: {  	_ =	strace s3  }
0xf: {  	_ =	strace $0x8FFFFFFF  }
0x10: {  	s20 =	sld [smem:$0x3FDB];
	_ =	sdelay $0x1  }
0x11: {  	s4 =	simm.s32 $_scs_section_size  }
0x12: {  	s5 =	simm.s32 $_size__tile_overlayer_lowered;
	s6 =	simm.s32 $_tile_overlayer_lowered  }
0x13: {  	s23 =	simm.s32 $0x1BFF;
	s22 =	sshll.u32 s6, $0x1;
	s3 =	sadd.s32 s4, s20  }
0x14: {  	s7 =	simm.s32 $0x0;
	s21 =	sshll.u32 s5, $0x1;
	s5 =	sadd.s32 s22, s3  }
0x15: {  	[timem:s7], [sflag:s23] =	dma.local [hbm:s5], s21  }
0x16: {  	_ =	swait.ge [sflag:s23], s21  }
0x17: {  	s4 =	ssub.s32 $0x0, s21;
	[sflag:s23] =	ssyncset.done $0x0  }
0x18: {  	[sflag:s23] =	ssyncadd.s32 s4;
	_ =	sdelay $0x1  }
0x19: {  	s24 =	simm.s32 $0x1B8B  }
0x1a: {  	_ =	swait.ge [sflag:s24], $0x1  }
0x1b: {  	[sflag:s24] =	ssyncset.done $0x0  }
0x1c: {  	s26 =	simm.s32 $0x1B8E;
	s25 =	sld [smem:$0x3FFE];
	[sflag:s24] =	ssyncadd.s32 $0xFFFFFFFF  }
0x1d: {  	s27 =	simm.s32 $execute0_lowered;
	[smem:$0x3FD2] =	sst s26  }
0x1e: {  	s5 =	sshll.u32 s27, $0x1;
	_ =	strace $0x80000049;
	[dreg:$0x1] =	wrdreg $0xFFFFFFFF  }
0x1f: {  	s28 =	simm.s32 $_size_execute0_lowered;
	s3 =	sadd.s32 s3, s5;
	[dreg:$0x0] =	wrdreg $0x0  }
0x20: {  	s5 =	sshll.u32 s28, $0x1;
	[dreg:$0x2] =	wrdreg s3  }
0x21: {  	[dreg:$0x3] =	wrdreg s5  }
0x22: {  	[dreg:$0x4] =	wrdreg $0xC0  }
0x23: {  	_ =	task [dreg:s7], $0x5FFFF  }
0x24: {  	[dreg:$0x1] =	wrdreg $0xFFFFFFFF  }
0x25: {  	[dreg:$0x0] =	wrdreg $0x60  }
0x26: {  	[dreg:$0x2] =	wrdreg s25  }
0x27: {  	[dreg:$0x3] =	wrdreg s2  }
0x28: {  	[dreg:$0x4] =	wrdreg $0x9  }
0x29: {  	_ =	task.clear_ibuf [dreg:s7], $0x5FFFF;
	_ =	strace $0x90000049  }
0x2a: {  	s29 =	simm.s32 $0x9;
	_ =	strace $0x8000004B  }
0x2b: {  	_ =	swait.ge [sflag:s29], $0x1  }
0x2c: {  	[sflag:s29] =	ssyncadd.s32 $0xFFFFFFFF  }
0x2d: {  	_ =	strace $0x9000004B  }
0x2e: {  	_ =	sfence  }
0x2f: {  	s30 =	sld [smem:$0x0];
	_ =	sdelay $0x2  }
0x30: {  	s31 =	sshll.u32 s1, $0xD;
	s1 =	sshrl.u32 s1, $0x2  }
0x31: {  	s3 =	sand.u32 $0x4000, s31;
	s1 =	sadd.s32 s1, s30  }
0x32: {  	s0 =	sor.u32 s3, s0;
	s1 =	sshll.u32 s1, $0x11  }
0x33: {  	s0 =	sor.u32 s1, s0  }
0x34: {  	s0 =	sadd.s32 $0x8F2B, s0  }
0x35: {  	[sflag:s0] =	ssyncadd.remote.s32 $0x1  }
0x36: {  	_ =	sfence.sel $0xFFFF  }
0x37: {  	[dreg:$0x0] =	wrdreg $0xFFFFFFFF;
	(pc) =	sbr.abs _section_cstart, $3  }
0x38: {  	[dreg:$0x1] =	wrdreg $0xFFFFFFFF  }
0x39: {  	_ =	task.clear_ibuf [dreg:s7], $0x2FFFF;
	_ =	strace $0x9FFFFFFF  }
0x3a: {  	(tm) =	ssettm $0x7FFFFFFF  }
0x3b: {  	_ =	shalt  }
tec
execute0_lowered:
.L_overlay_start_1:
0x0: {  	(tag) =	ssettag $0x1  }
0x1: {  	s0 =	srdreg.scid  }
0x2: {  	s1 =	sshll.u32 s0, $0x4  }
0x3: {  	s0 =	stileid.u32;
	s1 =	sand.u32 $0x10, s1  }
0x4: {  	s1 =	sor.u32 s0, s1  }
0x5: {  	s6 =	rddreg [dreg:$0x0];
	s4 =	simm.s32 $0x1;
	s2 =	sshll.u32 s1, $0x7  }
0x6: {  	s7 =	simm.s32 $0x2;
	s12 =	simm.s32 $0x0;
	s1 =	ssub.s32 $0x1000, s2  }
0x7: {  	s8 =	simm.s32 $0x8000;
	s13 =	simm.s32 $0x0;
	s3 =	sand.u32 $0xF80, s1  }
0x8: {  	s9 =	simm.s32 $0x0;
	s5 =	sshrl.u32 s1, $0xC;
	p0 =	sne.s32 s3, $0x0  }
.Ltmp0:
0x9: {  	s1 =	rddreg [dreg:$0x2];
	s4 =	simm.s32 @!p0 $0x0;
	(pc) =	sbr.rel .LBB1_1-.Ltmp0, $4  }
0xa: {  	s11 =	simm.s32 $0x0;
	s3 =	rddreg [dreg:$0x1];
	s5 =	sadd.s32 s4, s5  }
0xb: {  	_ =	strace $0x8000004A;
	s4 =	simm.s32 $0x1;
	s5 =	smul.u32 $0x32, s5  }
0xc: {  	s6 =	sadd.s32 $0x18D600, s6;
	s10 =	smov.u32 s2;
	[sflag:s4] =	ssyncpa.u1 $0x0  }
0xd: {  	p0 =	por $0x0, $0x0;
	[sflag:s7] =	ssyncpa.u1 $0x0;
	s7 =	sor.u32 $0x1, s5  }
.LBB1_4:
0xe: {  	s16 =	sshll.u32 s13, $0x3;
	s17 =	sand.u32 $0x78, s13  }
0xf: {  	s30 =	sand.u32 $0x7E00, s13;
	s12 =	sshll.u32 s12, $0xF;
	s16 =	sand.u32 $0xC00, s16  }
0x10: {  	[tilespmem:s15+$0x810 ss:$0x81] =	vst.msk $0xffff, v2;
	s31 =	sand.u32 $0x7, s13;
	s16 =	sor.u32 s17, s16;
	s17 =	sadd.s32 s3, s30  }
0x11: {  	[tilespmem:s15+$0x1020 ss:$0x81] =	vst.msk $0xffff, v0;
	s13 =	sshll.u32 s31, $0x12;
	s12 =	sadd.s32 s12, s17;
	s16 =	sshrl.u32 s16, $0x3  }
0x12: {  	[tilespmem:s15+$0x0 ss:$0x81] =	vst.msk $0xffff, v1;
	s13 =	sor.u32 $0x400, s13;
	s12 =	sadd.s32 s16, s12  }
0x13: {  	[hbm4b:s12+s13] =	stream.strided.scatter [tilespmem:s14], [sflag:$0x2], $0x2000, s8, s13, $0x20;
	[tilespmem:$0x8080] =	vst v63  }
.LBB1_5:
0x14: {  	s14 =	sadd.s32 $0x1, s9  }
0x15: {  	s12 =	sadd.s32 $0x1000, s10;
	s16 =	smov.u32 s10;
	p2 =	sgt.s32 s14, $0x31  }
0x16: {  	s16 =	smov.u32 @p2 s12  }
0x17: {  	s14 =	simm.s32 @p2 $0x0;
	p2 =	sgt.s32 s16, $0xFFF  }
0x18: {  	s16 =	smov.u32 @p2 s2;
	p2 =	sne.s32 s11, s7  }
.Ltmp1:
0x19: {  	p1 =	slt.u32 s11, $0x2;
	(pc) =	sbr.rel @!p2 .LBB1_6-.Ltmp1, $4  }
0x1a: {  	s15 =	simm.s32 @!p1 $0x2  }
0x1b: {  	s13 =	smov.u32 s10;
	p0 =	por !p0, !p0;
	_ =	swait.ge @!p1 [sflag:s15], $0x2000  }
0x1c: {  	s12 =	smov.u32 s9;
	[sflag:s15] =	ssyncset.done @!p1 $0x0;
	s9 =	smov.u32 s14  }
0x1d: {  	s11 =	sadd.s32 $0x1, s11;
	[sflag:s15] =	ssyncadd.s32 @!p1 $0xFFFFE000;
	s10 =	smov.u32 s16  }
.LBB1_1:
0x1e: {  	p1 =	sge.u32 s11, s5  }
0x1f: {  	s14 =	sand.u32 @!p1 $0x1FFFFFF, s9  }
0x20: {  	s15 =	smulhi.u32 @!p1 $0x4924925, s14;
	_ =	sdelay $0x1  }
0x21: {  	s15 =	smul.u32 @!p1 $0x38, s15  }
0x22: {  	s16 =	sxor.u32 @!p1 $0xFFFFFFFF, s11;
	s17 =	smul.u32 @!p1 $0x380, s10  }
0x23: {  	s31 =	sadd.s32 $0xFFFFFFFF, s11;
	s16 =	sshll.u32 @!p1 s16, $0xD;
	s14 =	ssub.s32 @!p1 s14, s15  }
0x24: {  	s15 =	sand.u32 @!p1 $0x2000, s16;
	s16 =	sadd.s32 @!p1 s6, s17;
	s14 =	sshll.u32 @!p1 s14, $0x4  }
0x25: {  	s17 =	simm.s32 @!p1 $0x1C00;
	s14 =	sadd.s32 @!p1 s14, s16;
	s16 =	simm.s32 @!p1 $0x40  }
0x26: {  	[tilespmem:s15], [sflag:$0x1] =	stream.strided.gather @!p1 [hbm4b:s14+s16], $0x2000, s17, s16, $0x38;
	[tilespmem:$0x8080] =	vst v63  }
0x27: {  	p1 =	sge.u32 s31, s5  }
.Ltmp2:
0x28: {  	_ = 	snop;
	(pc) =	sbr.rel @p1 .LBB1_5-.Ltmp2, $1  }
0x29: {  	_ =	sdelay $0x3  }
0x2a: {  	s14 =	simm.s32 $0x1  }
0x2b: {  	_ =	swait.ge [sflag:s4], $0x2000;
	s14 =	simm.s32 @!p0 $0x0  }
0x2c: {  	[sflag:s4] =	ssyncset.done $0x0;
	s15 =	sshll.u32 s14, $0xD  }
0x2d: {  	[sflag:s4] =	ssyncadd.s32 $0xFFFFE000;
	s18 =	sor.u32 $0x20, s15  }
0x2e: {  	s14 =	smul.u32 $0x8100, s14;
	v3 =	vld [tilespmem:s18+$0x10]  }
0x2f: {  	s30 =	sand.u32 $0x1, s11;
	v2 =	vld [tilespmem:s18+$0xFFFFFFF0]  }
0x30: {  	s15 =	smul.u32 $0x8100, s30;
	s14 =	sshrl.u32 s14, $0x2;
	v0 =	vld [tilespmem:s18+$0x0]  }
0x31: {  	v1 =	vld [tilespmem:s18+$0xFFFFFFE0];
	s16 =	sor.u32 $0x4000, s14  }
0x32: {  	s31 =	sshrl.u32 s15, $0x2;
	s15 =	sadd.s32 $0x0, s16  }
0x33: {  	s17 =	simm.s32 $0x4;
	s18 =	sadd.s32 $0x40, s18;
	s14 =	sor.u32 $0x4000, s31;
	[tilespmem:s15+$0x1830 ss:$0x81] =	vst.msk $0xffff, v3  }
.LBB1_3:
0x34: {  	v3 =	vld [tilespmem:s18+$0x10];
	p1 =	sne.s32 s17, $0x1FC;
	[tilespmem:s15+$0x810 ss:$0x81] =	vst.msk $0xffff, v2;
	s19 =	smov.u32 s17;
	s17 =	sadd.s32 $0x4, s17  }
.Ltmp3:
0x35: {  	v2 =	vld [tilespmem:s18+$0xFFFFFFF0];
	[tilespmem:s15+$0x1020 ss:$0x81] =	vst.msk $0xffff, v0;
	(pc) =	sbr.rel @p1 .LBB1_3-.Ltmp3, $4  }
0x36: {  	v0 =	vld [tilespmem:s18+$0x0];
	[tilespmem:s15+$0x0 ss:$0x81] =	vst.msk $0xffff, v1  }
0x37: {  	s15 =	sshra.s32 s19, $0x2;
	v1 =	vld [tilespmem:s18+$0xFFFFFFE0]  }
0x38: {  	s15 =	sadd.s32 s15, s16  }
0x39: {  	s18 =	sadd.s32 $0x40, s18;
	[tilespmem:s15+$0x1830 ss:$0x81] =	vst.msk $0xffff, v3  }
.Ltmp4:
0x3a: {  	_ = 	snop;
	(pc) =	sbr.rel .LBB1_4-.Ltmp4, $1  }
0x3b: {  	_ =	sdelay $0x3  }
.LBB1_6:
0x3c: {  	_ =	sfence.sel $0x180000  }
0x3d: {  	s2 =	simm.s32 $0x1;
	[bflag:$0x0] =	sbarrier.arrive $0xFFFF  }
0x3e: {  	s31 =	simm.s32 $0x2;
	[sflag:s2] =	ssyncpa.u1 $0x1  }
0x3f: {  	[sflag:s31] =	ssyncpa.u1 $0x1  }
0x40: {  	p0 =	sne.s32 s0, $0x0;
	_ =	strace $0x9000004A  }
0x41: {  	s0 =	sadd.s32 @!p0 $0x100000, s1;
	[bflag:$0x2] =	sbarrier.arrive $0xFFFF  }
0x42: {  	[sflag:s0] =	ssyncadd.tile.s32 @!p0 $0x1;
	_ =	shalt  }
.Lfunc_end1:
_tile_overlayer_lowered:
.L_overlay_start_2:
0x43: {  	(tag) =	ssettag $0x2  }
0x44: {  	s0 =	rddreg [dreg:$0x0];
	s2 =	stileid.u32  }
0x45: {  	s1 =	rddreg [dreg:$0x1];
	p0 =	sne.s32 s2, $0x0  }
0x46: {  	s3 =	rddreg [dreg:$0x2];
	[bflag:$0x3] =	sbarrier.arrive $0xFFFF;
	s2 =	simm.s32 @!p0 $0x1C01  }
0x47: {  	[timem:s3], [sflag:s2] =	dma.local @!p0 [hbm:s0], s1  }
0x48: {  	s0 =	simm.s32 @!p0 $0x1  }
0x49: {  	_ =	swait.ge @!p0 [sflag:s0], s1  }
0x4a: {  	s1 =	ssub.s32 @!p0 $0x0, s1;
	[sflag:s0] =	ssyncset.done @!p0 $0x0  }
0x4b: {  	[sflag:s0] =	ssyncadd.s32 @!p0 s1  }
0x4c: {  	[bflag:$0x3] =	sbarrier.arrive $0xFFFF  }
0x4d: {  	_ =	shalt  }

</sc_bundles>
